<compile_context>
chip_gen: v7x
topology: tpu7x:2x2x1
jax: 0.10.2.dev20260603
libtpu: 0.0.44.dev20260713+nightly
codegen_flags: <defaults>
</compile_context>

<pallas_src>
import functools

import jax
import jax.numpy as jnp
from jax import lax
from jax.experimental import pallas as pl
from jax.experimental.pallas import tpu as pltpu
from jax.experimental.pallas import tpu_sc as plsc

N_NODES = 10000
D_FEAT = 128
N_EDGES = 320000

NC = 2
NS = 16
NW = NC * NS

CHUNK = 128
N_CHUNKS = N_EDGES // CHUNK
T_CHUNKS = N_CHUNKS // NW
X_CHUNKS = N_CHUNKS - NW * T_CHUNKS

ROWS_PER_TILE = 632
LAST_ROWS = N_NODES - 15 * ROWS_PER_TILE

NBUF = 3
NIDX = 6


def _sc_partial_sums(x, src, dst, zeros):
  mesh = plsc.VectorSubcoreMesh(core_axis_name="c", subcore_axis_name="s")

  @functools.partial(
      pl.kernel,
      mesh=mesh,
      out_type=jax.ShapeDtypeStruct((NC, N_NODES, D_FEAT), jnp.float32),
      scratch_types=[
          *[pltpu.VMEM((CHUNK,), jnp.int32) for _ in range(NIDX)],
          *[pltpu.VMEM((CHUNK,), jnp.int32) for _ in range(NIDX)],
          *[pltpu.VMEM((CHUNK, D_FEAT), jnp.float32) for _ in range(NBUF)],
          pltpu.VMEM_SHARED((N_NODES, D_FEAT), jnp.float32),
          *[pltpu.SemaphoreType.DMA for _ in range(NBUF + NIDX + 1)],
      ],
  )
  def k(x_hbm, src_hbm, dst_hbm, zeros_hbm, out_hbm, *refs):
    sidx = refs[0:NIDX]
    didx = refs[NIDX:2 * NIDX]
    bufs = refs[2 * NIDX:2 * NIDX + NBUF]
    acc = refs[2 * NIDX + NBUF]
    rest = refs[2 * NIDX + NBUF + 1:]
    gsems = rest[0:NBUF]
    isems = rest[NBUF:NBUF + NIDX]
    zsem = rest[NBUF + NIDX]

    c = lax.axis_index("c")
    s = lax.axis_index("s")
    wid = s * NC + c
    base_chunk = wid * T_CHUNKS
    has_extra = wid < X_CHUNKS
    extra_chunk = NW * T_CHUNKS + wid

    def zero_copy():
      a = pltpu.make_async_copy(
          zeros_hbm, acc.at[pl.ds(s * ROWS_PER_TILE, ROWS_PER_TILE)], zsem)
      b = pltpu.make_async_copy(
          zeros_hbm.at[pl.ds(0, LAST_ROWS)],
          acc.at[pl.ds(15 * ROWS_PER_TILE, LAST_ROWS)], zsem)
      return a, b

    @pl.when(s < 15)
    def _():
      zero_copy()[0].start()

    @pl.when(s == 15)
    def _():
      zero_copy()[1].start()

    def idx_load(t, j):
      q = j % NIDX
      e = (base_chunk + t) * CHUNK
      return (
          pltpu.make_async_copy(src_hbm.at[pl.ds(e, CHUNK)], sidx[q], isems[q]),
          pltpu.make_async_copy(dst_hbm.at[pl.ds(e, CHUNK)], didx[q], isems[q]),
      )

    def idx_start(t, j):
      a, b = idx_load(t, j)
      a.start()
      b.start()

    def idx_wait(t, j):
      a, b = idx_load(t, j)
      a.wait()
      b.wait()

    def gather(j):
      return pltpu.make_async_copy(
          x_hbm.at[sidx[j % NIDX]], bufs[j % NBUF], gsems[j % NBUF])

    def scatter_add(j):
      pltpu.sync_copy(bufs[j % NBUF], acc.at[didx[j % NIDX]], add=True)

    for t in range(NIDX - 1):
      idx_start(t, t)
    for t in range(NBUF - 1):
      idx_wait(t, t)
      gather(t).start()

    @pl.when(s < 15)
    def _():
      zero_copy()[0].wait()

    @pl.when(s == 15)
    def _():
      zero_copy()[1].wait()

    plsc.subcore_barrier()

    def chunk_step(t, j):
      idx_wait(t + 2, j + 2)
      gather(j + 2).start()
      gather(j).wait()
      scatter_add(j)
      idx_start(t + 5, j + 5)

    def body(i, carry):
      t0 = NIDX * i
      for j in range(NIDX):
        chunk_step(t0 + j, j)
      return carry

    def extra_idx(e):
      return (
          pltpu.make_async_copy(src_hbm.at[pl.ds(e, CHUNK)], sidx[0], isems[0]),
          pltpu.make_async_copy(dst_hbm.at[pl.ds(e, CHUNK)], didx[0], isems[0]),
      )

    def extra_gather():
      return pltpu.make_async_copy(x_hbm.at[sidx[0]], bufs[0], gsems[0])

    lax.fori_loop(0, (T_CHUNKS // NIDX) - 1, body, 0)
    for t in range(T_CHUNKS - NIDX, T_CHUNKS):
      j = t % NIDX
      if t == T_CHUNKS - 5:
        @pl.when(has_extra)
        def _():
          a, b = extra_idx(extra_chunk * CHUNK)
          a.start()
          b.start()
      if t == T_CHUNKS - 2:
        @pl.when(has_extra)
        def _():
          a, b = extra_idx(extra_chunk * CHUNK)
          a.wait()
          b.wait()
          extra_gather().start()
      if t + 2 < T_CHUNKS:
        idx_wait(t + 2, j + 2)
        gather(j + 2).start()
      gather(j).wait()
      scatter_add(j)
      if t + 5 < T_CHUNKS:
        idx_start(t + 5, j + 5)

    @pl.when(has_extra)
    def _():
      extra_gather().wait()
      pltpu.sync_copy(bufs[0], acc.at[didx[0]], add=True)

    plsc.subcore_barrier()

    @pl.when(s < 15)
    def _():
      pltpu.sync_copy(
          acc.at[pl.ds(s * ROWS_PER_TILE, ROWS_PER_TILE)],
          out_hbm.at[c, pl.ds(s * ROWS_PER_TILE, ROWS_PER_TILE)],
      )

    @pl.when(s == 15)
    def _():
      pltpu.sync_copy(
          acc.at[pl.ds(15 * ROWS_PER_TILE, LAST_ROWS)],
          out_hbm.at[c, pl.ds(15 * ROWS_PER_TILE, LAST_ROWS)],
      )

  return k(x, src, dst, zeros)


def _combine_body(a_ref, b_ref, o_ref):
  o_ref[...] = a_ref[0] + b_ref[0]


_BLK = 1000


def _combine(partials):
  return pl.pallas_call(
      _combine_body,
      grid=(N_NODES // _BLK,),
      in_specs=[
          pl.BlockSpec((1, _BLK, D_FEAT), lambda i: (0, i, 0)),
          pl.BlockSpec((1, _BLK, D_FEAT), lambda i: (1, i, 0)),
      ],
      out_specs=pl.BlockSpec((_BLK, D_FEAT), lambda i: (i, 0)),
      out_shape=jax.ShapeDtypeStruct((N_NODES, D_FEAT), jnp.float32),
  )(partials, partials)


def kernel(X, edge_index):
  src = edge_index[1]
  dst = edge_index[0]
  zeros = jnp.zeros((ROWS_PER_TILE, D_FEAT), jnp.float32)
  partials = _sc_partial_sums(X, src, dst, zeros)
  return _combine(partials)

# --- scband reference (transcript-rebuilt; emitter-appended) ---
"""Pipeline reference for scband-message-passing-12257836663109 (READ-ONLY COPY).

The authoritative reference and input builder live on the scoring server;
editing this copy changes nothing except your own understanding.
"""

import jax, jax.numpy as jnp
import numpy as np

N_NODES = 10000
N_EDGES = 320000
D_FEAT = 128


def setup_inputs(seed: int = 0) -> dict:
    key = jax.random.key(seed)
    k1, k2 = jax.random.split(key)
    X = jax.random.normal(k1, (N_NODES, D_FEAT), dtype=jnp.float32)
    edge_index = jax.random.randint(k2, (2, N_EDGES), 0, N_NODES, dtype=jnp.int32)
    return {"X": X, "edge_index": edge_index}


def reference(X, edge_index):
    # MessagePassing.propagate:
    #   index_i = A.indices[:, 0] (destination / aggregation index)
    #   index_j = A.indices[:, 1] (source / gather index)
    index_i = edge_index[0]
    index_j = edge_index[1]
    # message(x_j) = x_j  (identity message function)
    x_j = jnp.take(X, index_j, axis=0)
    # aggregate: scatter-sum of messages into destination nodes
    embeddings = jax.ops.segment_sum(x_j, index_i, num_segments=X.shape[0])
    # update(embeddings) = embeddings (identity update)
    return embeddings

if __name__ == "__main__":
    import jax
    _d = setup_inputs()
    print(jax.jit(kernel)(*tuple(_d.values())))

</pallas_src>

<mosaic_0001>
#map = affine_map<(d0, d1) -> (0, 0)>
#map1 = affine_map<(d0, d1) -> (0)>
#map2 = affine_map<(d0, d1) -> (0, 0, 0)>
module attributes {stable_mosaic.version = 14 : i64} {
  func.func @k(%arg0: i32, %arg1: i32, %arg2: memref<10000x128xf32, #tpu.memory_space<hbm>>, %arg3: memref<320000xi32, #tpu.memory_space<hbm>>, %arg4: memref<320000xi32, #tpu.memory_space<hbm>>, %arg5: memref<632x128xf32, #tpu.memory_space<hbm>>, %arg6: memref<2x10000x128xf32, #tpu.memory_space<hbm>>, %arg7: memref<128xi32, #tpu.memory_space<vmem>>, %arg8: memref<128xi32, #tpu.memory_space<vmem>>, %arg9: memref<128xi32, #tpu.memory_space<vmem>>, %arg10: memref<128xi32, #tpu.memory_space<vmem>>, %arg11: memref<128xi32, #tpu.memory_space<vmem>>, %arg12: memref<128xi32, #tpu.memory_space<vmem>>, %arg13: memref<128xi32, #tpu.memory_space<vmem>>, %arg14: memref<128xi32, #tpu.memory_space<vmem>>, %arg15: memref<128xi32, #tpu.memory_space<vmem>>, %arg16: memref<128xi32, #tpu.memory_space<vmem>>, %arg17: memref<128xi32, #tpu.memory_space<vmem>>, %arg18: memref<128xi32, #tpu.memory_space<vmem>>, %arg19: memref<128x128xf32, #tpu.memory_space<vmem>>, %arg20: memref<128x128xf32, #tpu.memory_space<vmem>>, %arg21: memref<128x128xf32, #tpu.memory_space<vmem>>, %arg22: memref<10000x128xf32, #tpu.memory_space<vmem_shared>>, %arg23: memref<!tpu.dma_semaphore, #tpu.memory_space<semaphore_mem>>, %arg24: memref<!tpu.dma_semaphore, #tpu.memory_space<semaphore_mem>>, %arg25: memref<!tpu.dma_semaphore, #tpu.memory_space<semaphore_mem>>, %arg26: memref<!tpu.dma_semaphore, #tpu.memory_space<semaphore_mem>>, %arg27: memref<!tpu.dma_semaphore, #tpu.memory_space<semaphore_mem>>, %arg28: memref<!tpu.dma_semaphore, #tpu.memory_space<semaphore_mem>>, %arg29: memref<!tpu.dma_semaphore, #tpu.memory_space<semaphore_mem>>, %arg30: memref<!tpu.dma_semaphore, #tpu.memory_space<semaphore_mem>>, %arg31: memref<!tpu.dma_semaphore, #tpu.memory_space<semaphore_mem>>, %arg32: memref<!tpu.dma_semaphore, #tpu.memory_space<semaphore_mem>>) attributes {dimension_semantics = [#tpu.dimension_semantics<core_parallel>, #tpu.dimension_semantics<subcore_parallel>], iteration_bounds = array<i64: 2, 16>, scalar_prefetch = 0 : i64, scratch_operands = 26 : i64, tpu.core_type = #tpu.core_type<sc_vector_subcore>, window_params = [{transform_indices = #map}, {transform_indices = #map1}, {transform_indices = #map1}, {transform_indices = #map}, {transform_indices = #map2}]} {
    %mul3A = arith.constant 2 : i32
    %mul3A_0 = arith.muli %arg1, %mul3A : i32
    %add3A = arith.addi %mul3A_0, %arg0 : i32
    %mul3A_1 = arith.constant 78 : i32
    %mul3A_2 = arith.muli %add3A, %mul3A_1 : i32
    %lt3A = arith.constant 4 : i32
    %lt3A_3 = arith.cmpi slt, %add3A, %lt3A : i32
    %add3A_4 = arith.constant 2496 : i32
    %add3A_5 = arith.addi %add3A_4, %add3A : i32
    %lt3A_6 = arith.constant 15 : i32
    %lt3A_7 = arith.cmpi slt, %arg1, %lt3A_6 : i32
    %convert_element_type3A = arith.extui %lt3A_7 : i1 to i32
    %cond3A = arith.constant 0 : i32
    %cond3A_8 = arith.cmpi ne, %convert_element_type3A, %cond3A : i32
    scf.if %cond3A_8 {
      %mul3A_178 = arith.constant 632 : i32
      %mul3A_179 = arith.muli %arg1, %mul3A_178 : i32
      %dma_start3A_180 = arith.constant 0 : i32
      %dma_start3A_181 = tpu.memref_slice %arg22[%mul3A_179, %dma_start3A_180] : memref<10000x128xf32, #tpu.memory_space<vmem_shared>> -> memref<632x128xf32, #tpu.memory_space<vmem_shared>>
      tpu.enqueue_dma source(%arg5 : memref<632x128xf32, #tpu.memory_space<hbm>>) target(%dma_start3A_181 : memref<632x128xf32, #tpu.memory_space<vmem_shared>>) target_semaphore(%arg32 : memref<!tpu.dma_semaphore, #tpu.memory_space<semaphore_mem>>)
    } else {
    }
    %eq3A = arith.constant 15 : i32
    %eq3A_9 = arith.cmpi eq, %arg1, %eq3A : i32
    %convert_element_type3A_10 = arith.extui %eq3A_9 : i1 to i32
    %cond3A_11 = arith.constant 0 : i32
    %cond3A_12 = arith.cmpi ne, %convert_element_type3A_10, %cond3A_11 : i32
    scf.if %cond3A_12 {
      %mul3A_178 = arith.constant 632 : i32
      %mul3A_179 = arith.muli %arg1, %mul3A_178 : i32
      %dma_start3A_180 = arith.constant 9480 : i32
      %dma_start3A_181 = arith.constant 0 : i32
      %dma_start3A_182 = tpu.memref_slice %arg22[%dma_start3A_180, %dma_start3A_181] : memref<10000x128xf32, #tpu.memory_space<vmem_shared>> -> memref<520x128xf32, #tpu.memory_space<vmem_shared>>
      %dma_start3A_183 = arith.constant 0 : i32
      %dma_start3A_184 = arith.constant 0 : i32
      %dma_start3A_185 = tpu.memref_slice %arg5[%dma_start3A_183, %dma_start3A_184] : memref<632x128xf32, #tpu.memory_space<hbm>> -> memref<520x128xf32, #tpu.memory_space<hbm>>
      tpu.enqueue_dma source(%dma_start3A_185 : memref<520x128xf32, #tpu.memory_space<hbm>>) target(%dma_start3A_182 : memref<520x128xf32, #tpu.memory_space<vmem_shared>>) target_semaphore(%arg32 : memref<!tpu.dma_semaphore, #tpu.memory_space<semaphore_mem>>)
    } else {
    }
    %add3A_13 = arith.constant 0 : i32
    %add3A_14 = arith.addi %mul3A_2, %add3A_13 : i32
    %mul3A_15 = arith.constant 128 : i32
    %mul3A_16 = arith.muli %add3A_14, %mul3A_15 : i32
    %dma_start3A = tpu.memref_slice %arg3[%mul3A_16] : memref<320000xi32, #tpu.memory_space<hbm>> -> memref<128xi32, #tpu.memory_space<hbm>>
    %dma_start3A_17 = tpu.memref_slice %arg3[%mul3A_16] : memref<320000xi32, #tpu.memory_space<hbm>> -> memref<128xi32, #tpu.memory_space<hbm>>
    tpu.enqueue_dma source(%dma_start3A_17 : memref<128xi32, #tpu.memory_space<hbm>>) target(%arg7 : memref<128xi32, #tpu.memory_space<vmem>>) target_semaphore(%arg26 : memref<!tpu.dma_semaphore, #tpu.memory_space<semaphore_mem>>)
    %dma_start3A_18 = tpu.memref_slice %arg4[%mul3A_16] : memref<320000xi32, #tpu.memory_space<hbm>> -> memref<128xi32, #tpu.memory_space<hbm>>
    %dma_start3A_19 = tpu.memref_slice %arg4[%mul3A_16] : memref<320000xi32, #tpu.memory_space<hbm>> -> memref<128xi32, #tpu.memory_space<hbm>>
    tpu.enqueue_dma source(%dma_start3A_19 : memref<128xi32, #tpu.memory_space<hbm>>) target(%arg13 : memref<128xi32, #tpu.memory_space<vmem>>) target_semaphore(%arg26 : memref<!tpu.dma_semaphore, #tpu.memory_space<semaphore_mem>>)
    %add3A_20 = arith.constant 1 : i32
    %add3A_21 = arith.addi %mul3A_2, %add3A_20 : i32
    %mul3A_22 = arith.constant 128 : i32
    %mul3A_23 = arith.muli %add3A_21, %mul3A_22 : i32
    %dma_start3A_24 = tpu.memref_slice %arg3[%mul3A_23] : memref<320000xi32, #tpu.memory_space<hbm>> -> memref<128xi32, #tpu.memory_space<hbm>>
    %dma_start3A_25 = tpu.memref_slice %arg3[%mul3A_23] : memref<320000xi32, #tpu.memory_space<hbm>> -> memref<128xi32, #tpu.memory_space<hbm>>
    tpu.enqueue_dma source(%dma_start3A_25 : memref<128xi32, #tpu.memory_space<hbm>>) target(%arg8 : memref<128xi32, #tpu.memory_space<vmem>>) target_semaphore(%arg27 : memref<!tpu.dma_semaphore, #tpu.memory_space<semaphore_mem>>)
    %dma_start3A_26 = tpu.memref_slice %arg4[%mul3A_23] : memref<320000xi32, #tpu.memory_space<hbm>> -> memref<128xi32, #tpu.memory_space<hbm>>
    %dma_start3A_27 = tpu.memref_slice %arg4[%mul3A_23] : memref<320000xi32, #tpu.memory_space<hbm>> -> memref<128xi32, #tpu.memory_space<hbm>>
    tpu.enqueue_dma source(%dma_start3A_27 : memref<128xi32, #tpu.memory_space<hbm>>) target(%arg14 : memref<128xi32, #tpu.memory_space<vmem>>) target_semaphore(%arg27 : memref<!tpu.dma_semaphore, #tpu.memory_space<semaphore_mem>>)
    %add3A_28 = arith.constant 2 : i32
    %add3A_29 = arith.addi %mul3A_2, %add3A_28 : i32
    %mul3A_30 = arith.constant 128 : i32
    %mul3A_31 = arith.muli %add3A_29, %mul3A_30 : i32
    %dma_start3A_32 = tpu.memref_slice %arg3[%mul3A_31] : memref<320000xi32, #tpu.memory_space<hbm>> -> memref<128xi32, #tpu.memory_space<hbm>>
    %dma_start3A_33 = tpu.memref_slice %arg3[%mul3A_31] : memref<320000xi32, #tpu.memory_space<hbm>> -> memref<128xi32, #tpu.memory_space<hbm>>
    tpu.enqueue_dma source(%dma_start3A_33 : memref<128xi32, #tpu.memory_space<hbm>>) target(%arg9 : memref<128xi32, #tpu.memory_space<vmem>>) target_semaphore(%arg28 : memref<!tpu.dma_semaphore, #tpu.memory_space<semaphore_mem>>)
    %dma_start3A_34 = tpu.memref_slice %arg4[%mul3A_31] : memref<320000xi32, #tpu.memory_space<hbm>> -> memref<128xi32, #tpu.memory_space<hbm>>
    %dma_start3A_35 = tpu.memref_slice %arg4[%mul3A_31] : memref<320000xi32, #tpu.memory_space<hbm>> -> memref<128xi32, #tpu.memory_space<hbm>>
    tpu.enqueue_dma source(%dma_start3A_35 : memref<128xi32, #tpu.memory_space<hbm>>) target(%arg15 : memref<128xi32, #tpu.memory_space<vmem>>) target_semaphore(%arg28 : memref<!tpu.dma_semaphore, #tpu.memory_space<semaphore_mem>>)
    %add3A_36 = arith.constant 3 : i32
    %add3A_37 = arith.addi %mul3A_2, %add3A_36 : i32
    %mul3A_38 = arith.constant 128 : i32
    %mul3A_39 = arith.muli %add3A_37, %mul3A_38 : i32
    %dma_start3A_40 = tpu.memref_slice %arg3[%mul3A_39] : memref<320000xi32, #tpu.memory_space<hbm>> -> memref<128xi32, #tpu.memory_space<hbm>>
    %dma_start3A_41 = tpu.memref_slice %arg3[%mul3A_39] : memref<320000xi32, #tpu.memory_space<hbm>> -> memref<128xi32, #tpu.memory_space<hbm>>
    tpu.enqueue_dma source(%dma_start3A_41 : memref<128xi32, #tpu.memory_space<hbm>>) target(%arg10 : memref<128xi32, #tpu.memory_space<vmem>>) target_semaphore(%arg29 : memref<!tpu.dma_semaphore, #tpu.memory_space<semaphore_mem>>)
    %dma_start3A_42 = tpu.memref_slice %arg4[%mul3A_39] : memref<320000xi32, #tpu.memory_space<hbm>> -> memref<128xi32, #tpu.memory_space<hbm>>
    %dma_start3A_43 = tpu.memref_slice %arg4[%mul3A_39] : memref<320000xi32, #tpu.memory_space<hbm>> -> memref<128xi32, #tpu.memory_space<hbm>>
    tpu.enqueue_dma source(%dma_start3A_43 : memref<128xi32, #tpu.memory_space<hbm>>) target(%arg16 : memref<128xi32, #tpu.memory_space<vmem>>) target_semaphore(%arg29 : memref<!tpu.dma_semaphore, #tpu.memory_space<semaphore_mem>>)
    %add3A_44 = arith.constant 4 : i32
    %add3A_45 = arith.addi %mul3A_2, %add3A_44 : i32
    %mul3A_46 = arith.constant 128 : i32
    %mul3A_47 = arith.muli %add3A_45, %mul3A_46 : i32
    %dma_start3A_48 = tpu.memref_slice %arg3[%mul3A_47] : memref<320000xi32, #tpu.memory_space<hbm>> -> memref<128xi32, #tpu.memory_space<hbm>>
    %dma_start3A_49 = tpu.memref_slice %arg3[%mul3A_47] : memref<320000xi32, #tpu.memory_space<hbm>> -> memref<128xi32, #tpu.memory_space<hbm>>
    tpu.enqueue_dma source(%dma_start3A_49 : memref<128xi32, #tpu.memory_space<hbm>>) target(%arg11 : memref<128xi32, #tpu.memory_space<vmem>>) target_semaphore(%arg30 : memref<!tpu.dma_semaphore, #tpu.memory_space<semaphore_mem>>)
    %dma_start3A_50 = tpu.memref_slice %arg4[%mul3A_47] : memref<320000xi32, #tpu.memory_space<hbm>> -> memref<128xi32, #tpu.memory_space<hbm>>
    %dma_start3A_51 = tpu.memref_slice %arg4[%mul3A_47] : memref<320000xi32, #tpu.memory_space<hbm>> -> memref<128xi32, #tpu.memory_space<hbm>>
    tpu.enqueue_dma source(%dma_start3A_51 : memref<128xi32, #tpu.memory_space<hbm>>) target(%arg17 : memref<128xi32, #tpu.memory_space<vmem>>) target_semaphore(%arg30 : memref<!tpu.dma_semaphore, #tpu.memory_space<semaphore_mem>>)
    %add3A_52 = arith.constant 0 : i32
    %add3A_53 = arith.addi %mul3A_2, %add3A_52 : i32
    %mul3A_54 = arith.constant 128 : i32
    %mul3A_55 = arith.muli %add3A_53, %mul3A_54 : i32
    %dma_wait3A = tpu.memref_slice %arg3[%mul3A_55] : memref<320000xi32, #tpu.memory_space<hbm>> -> memref<128xi32, #tpu.memory_space<hbm>>
    %dma_wait3A_56 = tpu.memref_slice %arg3[%mul3A_55] : memref<320000xi32, #tpu.memory_space<hbm>> -> memref<128xi32, #tpu.memory_space<hbm>>
    tpu.wait_dma2 semaphore(%arg26 : memref<!tpu.dma_semaphore, #tpu.memory_space<semaphore_mem>>) src(%dma_wait3A_56 : memref<128xi32, #tpu.memory_space<hbm>>) dst(%arg7 : memref<128xi32, #tpu.memory_space<vmem>>)
    %dma_wait3A_57 = tpu.memref_slice %arg4[%mul3A_55] : memref<320000xi32, #tpu.memory_space<hbm>> -> memref<128xi32, #tpu.memory_space<hbm>>
    %dma_wait3A_58 = tpu.memref_slice %arg4[%mul3A_55] : memref<320000xi32, #tpu.memory_space<hbm>> -> memref<128xi32, #tpu.memory_space<hbm>>
    tpu.wait_dma2 semaphore(%arg26 : memref<!tpu.dma_semaphore, #tpu.memory_space<semaphore_mem>>) src(%dma_wait3A_58 : memref<128xi32, #tpu.memory_space<hbm>>) dst(%arg13 : memref<128xi32, #tpu.memory_space<vmem>>)
    %dma_start3A_59 = arith.constant 0 : i32
    %dma_start3A_60 = arith.constant 0 : i32
    %dma_start3A_61 = tpu.memref_slice %arg2[%dma_start3A_59, %dma_start3A_60] : memref<10000x128xf32, #tpu.memory_space<hbm>> -> memref<10000x128xf32, #tpu.memory_space<hbm>>
    tpu.enqueue_indirect_dma source(%dma_start3A_61 : memref<10000x128xf32, #tpu.memory_space<hbm>>) target(%arg19 : memref<128x128xf32, #tpu.memory_space<vmem>>) offsets(%arg7 : memref<128xi32, #tpu.memory_space<vmem>>) semaphore(%arg23 : memref<!tpu.dma_semaphore, #tpu.memory_space<semaphore_mem>>)
    %add3A_62 = arith.constant 1 : i32
    %add3A_63 = arith.addi %mul3A_2, %add3A_62 : i32
    %mul3A_64 = arith.constant 128 : i32
    %mul3A_65 = arith.muli %add3A_63, %mul3A_64 : i32
    %dma_wait3A_66 = tpu.memref_slice %arg3[%mul3A_65] : memref<320000xi32, #tpu.memory_space<hbm>> -> memref<128xi32, #tpu.memory_space<hbm>>
    %dma_wait3A_67 = tpu.memref_slice %arg3[%mul3A_65] : memref<320000xi32, #tpu.memory_space<hbm>> -> memref<128xi32, #tpu.memory_space<hbm>>
    tpu.wait_dma2 semaphore(%arg27 : memref<!tpu.dma_semaphore, #tpu.memory_space<semaphore_mem>>) src(%dma_wait3A_67 : memref<128xi32, #tpu.memory_space<hbm>>) dst(%arg8 : memref<128xi32, #tpu.memory_space<vmem>>)
    %dma_wait3A_68 = tpu.memref_slice %arg4[%mul3A_65] : memref<320000xi32, #tpu.memory_space<hbm>> -> memref<128xi32, #tpu.memory_space<hbm>>
    %dma_wait3A_69 = tpu.memref_slice %arg4[%mul3A_65] : memref<320000xi32, #tpu.memory_space<hbm>> -> memref<128xi32, #tpu.memory_space<hbm>>
    tpu.wait_dma2 semaphore(%arg27 : memref<!tpu.dma_semaphore, #tpu.memory_space<semaphore_mem>>) src(%dma_wait3A_69 : memref<128xi32, #tpu.memory_space<hbm>>) dst(%arg14 : memref<128xi32, #tpu.memory_space<vmem>>)
    %dma_start3A_70 = arith.constant 0 : i32
    %dma_start3A_71 = arith.constant 0 : i32
    %dma_start3A_72 = tpu.memref_slice %arg2[%dma_start3A_70, %dma_start3A_71] : memref<10000x128xf32, #tpu.memory_space<hbm>> -> memref<10000x128xf32, #tpu.memory_space<hbm>>
    tpu.enqueue_indirect_dma source(%dma_start3A_72 : memref<10000x128xf32, #tpu.memory_space<hbm>>) target(%arg20 : memref<128x128xf32, #tpu.memory_space<vmem>>) offsets(%arg8 : memref<128xi32, #tpu.memory_space<vmem>>) semaphore(%arg24 : memref<!tpu.dma_semaphore, #tpu.memory_space<semaphore_mem>>)
    %lt3A_73 = arith.constant 15 : i32
    %lt3A_74 = arith.cmpi slt, %arg1, %lt3A_73 : i32
    %convert_element_type3A_75 = arith.extui %lt3A_74 : i1 to i32
    %cond3A_76 = arith.constant 0 : i32
    %cond3A_77 = arith.cmpi ne, %convert_element_type3A_75, %cond3A_76 : i32
    scf.if %cond3A_77 {
      %mul3A_178 = arith.constant 632 : i32
      %mul3A_179 = arith.muli %arg1, %mul3A_178 : i32
      %dma_wait3A_180 = arith.constant 0 : i32
      %dma_wait3A_181 = tpu.memref_slice %arg22[%mul3A_179, %dma_wait3A_180] : memref<10000x128xf32, #tpu.memory_space<vmem_shared>> -> memref<632x128xf32, #tpu.memory_space<vmem_shared>>
      tpu.wait_dma2 semaphore(%arg32 : memref<!tpu.dma_semaphore, #tpu.memory_space<semaphore_mem>>) src(%arg5 : memref<632x128xf32, #tpu.memory_space<hbm>>) dst(%dma_wait3A_181 : memref<632x128xf32, #tpu.memory_space<vmem_shared>>)
    } else {
    }
    %eq3A_78 = arith.constant 15 : i32
    %eq3A_79 = arith.cmpi eq, %arg1, %eq3A_78 : i32
    %convert_element_type3A_80 = arith.extui %eq3A_79 : i1 to i32
    %cond3A_81 = arith.constant 0 : i32
    %cond3A_82 = arith.cmpi ne, %convert_element_type3A_80, %cond3A_81 : i32
    scf.if %cond3A_82 {
      %mul3A_178 = arith.constant 632 : i32
      %mul3A_179 = arith.muli %arg1, %mul3A_178 : i32
      %dma_wait3A_180 = arith.constant 9480 : i32
      %dma_wait3A_181 = arith.constant 0 : i32
      %dma_wait3A_182 = tpu.memref_slice %arg22[%dma_wait3A_180, %dma_wait3A_181] : memref<10000x128xf32, #tpu.memory_space<vmem_shared>> -> memref<520x128xf32, #tpu.memory_space<vmem_shared>>
      %dma_wait3A_183 = arith.constant 0 : i32
      %dma_wait3A_184 = arith.constant 0 : i32
      %dma_wait3A_185 = tpu.memref_slice %arg5[%dma_wait3A_183, %dma_wait3A_184] : memref<632x128xf32, #tpu.memory_space<hbm>> -> memref<520x128xf32, #tpu.memory_space<hbm>>
      tpu.wait_dma2 semaphore(%arg32 : memref<!tpu.dma_semaphore, #tpu.memory_space<semaphore_mem>>) src(%dma_wait3A_185 : memref<520x128xf32, #tpu.memory_space<hbm>>) dst(%dma_wait3A_182 : memref<520x128xf32, #tpu.memory_space<vmem_shared>>)
    } else {
    }
    %barrier3A = arith.constant 0 : index
    tpu.barrier barrier_id(%barrier3A)
    %scan3A = arith.constant 0 : i32
    %scan3A_83 = arith.constant 0 : i32
    %scan3A_84 = arith.constant 12 : i32
    %scan3A_85 = arith.addi %scan3A_83, %scan3A_84 : i32
    %scan3A_86 = arith.constant 1 : i32
    scf.for %scan3A_178 = %scan3A_83 to %scan3A_85 step %scan3A_86  : i32 {
      %mul3A_179 = arith.constant 6 : i32
      %mul3A_180 = arith.muli %mul3A_179, %scan3A_178 : i32
      %add3A_181 = arith.constant 0 : i32
      %add3A_182 = arith.addi %mul3A_180, %add3A_181 : i32
      %add3A_183 = arith.constant 2 : i32
      %add3A_184 = arith.addi %add3A_182, %add3A_183 : i32
      %add3A_185 = arith.addi %mul3A_2, %add3A_184 : i32
      %mul3A_186 = arith.constant 128 : i32
      %mul3A_187 = arith.muli %add3A_185, %mul3A_186 : i32
      %dma_wait3A_188 = tpu.memref_slice %arg3[%mul3A_187] : memref<320000xi32, #tpu.memory_space<hbm>> -> memref<128xi32, #tpu.memory_space<hbm>>
      %dma_wait3A_189 = tpu.memref_slice %arg3[%mul3A_187] : memref<320000xi32, #tpu.memory_space<hbm>> -> memref<128xi32, #tpu.memory_space<hbm>>
      tpu.wait_dma2 semaphore(%arg28 : memref<!tpu.dma_semaphore, #tpu.memory_space<semaphore_mem>>) src(%dma_wait3A_189 : memref<128xi32, #tpu.memory_space<hbm>>) dst(%arg9 : memref<128xi32, #tpu.memory_space<vmem>>)
      %dma_wait3A_190 = tpu.memref_slice %arg4[%mul3A_187] : memref<320000xi32, #tpu.memory_space<hbm>> -> memref<128xi32, #tpu.memory_space<hbm>>
      %dma_wait3A_191 = tpu.memref_slice %arg4[%mul3A_187] : memref<320000xi32, #tpu.memory_space<hbm>> -> memref<128xi32, #tpu.memory_space<hbm>>
      tpu.wait_dma2 semaphore(%arg28 : memref<!tpu.dma_semaphore, #tpu.memory_space<semaphore_mem>>) src(%dma_wait3A_191 : memref<128xi32, #tpu.memory_space<hbm>>) dst(%arg15 : memref<128xi32, #tpu.memory_space<vmem>>)
      %dma_start3A_192 = arith.constant 0 : i32
      %dma_start3A_193 = arith.constant 0 : i32
      %dma_start3A_194 = tpu.memref_slice %arg2[%dma_start3A_192, %dma_start3A_193] : memref<10000x128xf32, #tpu.memory_space<hbm>> -> memref<10000x128xf32, #tpu.memory_space<hbm>>
      tpu.enqueue_indirect_dma source(%dma_start3A_194 : memref<10000x128xf32, #tpu.memory_space<hbm>>) target(%arg21 : memref<128x128xf32, #tpu.memory_space<vmem>>) offsets(%arg9 : memref<128xi32, #tpu.memory_space<vmem>>) semaphore(%arg25 : memref<!tpu.dma_semaphore, #tpu.memory_space<semaphore_mem>>)
      %dma_wait3A_195 = arith.constant 0 : i32
      %dma_wait3A_196 = arith.constant 0 : i32
      %dma_wait3A_197 = tpu.memref_slice %arg2[%dma_wait3A_195, %dma_wait3A_196] : memref<10000x128xf32, #tpu.memory_space<hbm>> -> memref<10000x128xf32, #tpu.memory_space<hbm>>
      tpu.wait_indirect_dma semaphore(%arg23 : memref<!tpu.dma_semaphore, #tpu.memory_space<semaphore_mem>>) src(%dma_wait3A_197 : memref<10000x128xf32, #tpu.memory_space<hbm>>) dst(%arg19 : memref<128x128xf32, #tpu.memory_space<vmem>>)
      "tpu.region"() ({
        %run_scoped3A = tpu.sem_alloc : memref<!tpu.dma_semaphore, #tpu.memory_space<semaphore_mem>>
        %dma_start3A_337 = arith.constant 0 : i32
        %dma_start3A_338 = arith.constant 0 : i32
        %dma_start3A_339 = tpu.memref_slice %arg22[%dma_start3A_337, %dma_start3A_338] : memref<10000x128xf32, #tpu.memory_space<vmem_shared>> -> memref<10000x128xf32, #tpu.memory_space<vmem_shared>>
        tpu.enqueue_indirect_dma source(%arg19 : memref<128x128xf32, #tpu.memory_space<vmem>>) target(%dma_start3A_339 : memref<10000x128xf32, #tpu.memory_space<vmem_shared>>) offsets(%arg13 : memref<128xi32, #tpu.memory_space<vmem>>) semaphore(%run_scoped3A : memref<!tpu.dma_semaphore, #tpu.memory_space<semaphore_mem>>) {add = true}
        %dma_wait3A_340 = arith.constant 0 : i32
        %dma_wait3A_341 = arith.constant 0 : i32
        %dma_wait3A_342 = tpu.memref_slice %arg22[%dma_wait3A_340, %dma_wait3A_341] : memref<10000x128xf32, #tpu.memory_space<vmem_shared>> -> memref<10000x128xf32, #tpu.memory_space<vmem_shared>>
        tpu.wait_indirect_dma semaphore(%run_scoped3A : memref<!tpu.dma_semaphore, #tpu.memory_space<semaphore_mem>>) src(%arg19 : memref<128x128xf32, #tpu.memory_space<vmem>>) dst(%dma_wait3A_342 : memref<10000x128xf32, #tpu.memory_space<vmem_shared>>)
        tpu.yield
      }) : () -> ()
      %add3A_198 = arith.constant 5 : i32
      %add3A_199 = arith.addi %add3A_182, %add3A_198 : i32
      %add3A_200 = arith.addi %mul3A_2, %add3A_199 : i32
      %mul3A_201 = arith.constant 128 : i32
      %mul3A_202 = arith.muli %add3A_200, %mul3A_201 : i32
      %dma_start3A_203 = tpu.memref_slice %arg3[%mul3A_202] : memref<320000xi32, #tpu.memory_space<hbm>> -> memref<128xi32, #tpu.memory_space<hbm>>
      %dma_start3A_204 = tpu.memref_slice %arg3[%mul3A_202] : memref<320000xi32, #tpu.memory_space<hbm>> -> memref<128xi32, #tpu.memory_space<hbm>>
      tpu.enqueue_dma source(%dma_start3A_204 : memref<128xi32, #tpu.memory_space<hbm>>) target(%arg12 : memref<128xi32, #tpu.memory_space<vmem>>) target_semaphore(%arg31 : memref<!tpu.dma_semaphore, #tpu.memory_space<semaphore_mem>>)
      %dma_start3A_205 = tpu.memref_slice %arg4[%mul3A_202] : memref<320000xi32, #tpu.memory_space<hbm>> -> memref<128xi32, #tpu.memory_space<hbm>>
      %dma_start3A_206 = tpu.memref_slice %arg4[%mul3A_202] : memref<320000xi32, #tpu.memory_space<hbm>> -> memref<128xi32, #tpu.memory_space<hbm>>
      tpu.enqueue_dma source(%dma_start3A_206 : memref<128xi32, #tpu.memory_space<hbm>>) target(%arg18 : memref<128xi32, #tpu.memory_space<vmem>>) target_semaphore(%arg31 : memref<!tpu.dma_semaphore, #tpu.memory_space<semaphore_mem>>)
      %add3A_207 = arith.constant 1 : i32
      %add3A_208 = arith.addi %mul3A_180, %add3A_207 : i32
      %add3A_209 = arith.constant 2 : i32
      %add3A_210 = arith.addi %add3A_208, %add3A_209 : i32
      %add3A_211 = arith.addi %mul3A_2, %add3A_210 : i32
      %mul3A_212 = arith.constant 128 : i32
      %mul3A_213 = arith.muli %add3A_211, %mul3A_212 : i32
      %dma_wait3A_214 = tpu.memref_slice %arg3[%mul3A_213] : memref<320000xi32, #tpu.memory_space<hbm>> -> memref<128xi32, #tpu.memory_space<hbm>>
      %dma_wait3A_215 = tpu.memref_slice %arg3[%mul3A_213] : memref<320000xi32, #tpu.memory_space<hbm>> -> memref<128xi32, #tpu.memory_space<hbm>>
      tpu.wait_dma2 semaphore(%arg29 : memref<!tpu.dma_semaphore, #tpu.memory_space<semaphore_mem>>) src(%dma_wait3A_215 : memref<128xi32, #tpu.memory_space<hbm>>) dst(%arg10 : memref<128xi32, #tpu.memory_space<vmem>>)
      %dma_wait3A_216 = tpu.memref_slice %arg4[%mul3A_213] : memref<320000xi32, #tpu.memory_space<hbm>> -> memref<128xi32, #tpu.memory_space<hbm>>
      %dma_wait3A_217 = tpu.memref_slice %arg4[%mul3A_213] : memref<320000xi32, #tpu.memory_space<hbm>> -> memref<128xi32, #tpu.memory_space<hbm>>
      tpu.wait_dma2 semaphore(%arg29 : memref<!tpu.dma_semaphore, #tpu.memory_space<semaphore_mem>>) src(%dma_wait3A_217 : memref<128xi32, #tpu.memory_space<hbm>>) dst(%arg16 : memref<128xi32, #tpu.memory_space<vmem>>)
      %dma_start3A_218 = arith.constant 0 : i32
      %dma_start3A_219 = arith.constant 0 : i32
      %dma_start3A_220 = tpu.memref_slice %arg2[%dma_start3A_218, %dma_start3A_219] : memref<10000x128xf32, #tpu.memory_space<hbm>> -> memref<10000x128xf32, #tpu.memory_space<hbm>>
      tpu.enqueue_indirect_dma source(%dma_start3A_220 : memref<10000x128xf32, #tpu.memory_space<hbm>>) target(%arg19 : memref<128x128xf32, #tpu.memory_space<vmem>>) offsets(%arg10 : memref<128xi32, #tpu.memory_space<vmem>>) semaphore(%arg23 : memref<!tpu.dma_semaphore, #tpu.memory_space<semaphore_mem>>)
      %dma_wait3A_221 = arith.constant 0 : i32
      %dma_wait3A_222 = arith.constant 0 : i32
      %dma_wait3A_223 = tpu.memref_slice %arg2[%dma_wait3A_221, %dma_wait3A_222] : memref<10000x128xf32, #tpu.memory_space<hbm>> -> memref<10000x128xf32, #tpu.memory_space<hbm>>
      tpu.wait_indirect_dma semaphore(%arg24 : memref<!tpu.dma_semaphore, #tpu.memory_space<semaphore_mem>>) src(%dma_wait3A_223 : memref<10000x128xf32, #tpu.memory_space<hbm>>) dst(%arg20 : memref<128x128xf32, #tpu.memory_space<vmem>>)
      "tpu.region"() ({
        %run_scoped3A = tpu.sem_alloc : memref<!tpu.dma_semaphore, #tpu.memory_space<semaphore_mem>>
        %dma_start3A_337 = arith.constant 0 : i32
        %dma_start3A_338 = arith.constant 0 : i32
        %dma_start3A_339 = tpu.memref_slice %arg22[%dma_start3A_337, %dma_start3A_338] : memref<10000x128xf32, #tpu.memory_space<vmem_shared>> -> memref<10000x128xf32, #tpu.memory_space<vmem_shared>>
        tpu.enqueue_indirect_dma source(%arg20 : memref<128x128xf32, #tpu.memory_space<vmem>>) target(%dma_start3A_339 : memref<10000x128xf32, #tpu.memory_space<vmem_shared>>) offsets(%arg14 : memref<128xi32, #tpu.memory_space<vmem>>) semaphore(%run_scoped3A : memref<!tpu.dma_semaphore, #tpu.memory_space<semaphore_mem>>) {add = true}
        %dma_wait3A_340 = arith.constant 0 : i32
        %dma_wait3A_341 = arith.constant 0 : i32
        %dma_wait3A_342 = tpu.memref_slice %arg22[%dma_wait3A_340, %dma_wait3A_341] : memref<10000x128xf32, #tpu.memory_space<vmem_shared>> -> memref<10000x128xf32, #tpu.memory_space<vmem_shared>>
        tpu.wait_indirect_dma semaphore(%run_scoped3A : memref<!tpu.dma_semaphore, #tpu.memory_space<semaphore_mem>>) src(%arg20 : memref<128x128xf32, #tpu.memory_space<vmem>>) dst(%dma_wait3A_342 : memref<10000x128xf32, #tpu.memory_space<vmem_shared>>)
        tpu.yield
      }) : () -> ()
      %add3A_224 = arith.constant 5 : i32
      %add3A_225 = arith.addi %add3A_208, %add3A_224 : i32
      %add3A_226 = arith.addi %mul3A_2, %add3A_225 : i32
      %mul3A_227 = arith.constant 128 : i32
      %mul3A_228 = arith.muli %add3A_226, %mul3A_227 : i32
      %dma_start3A_229 = tpu.memref_slice %arg3[%mul3A_228] : memref<320000xi32, #tpu.memory_space<hbm>> -> memref<128xi32, #tpu.memory_space<hbm>>
      %dma_start3A_230 = tpu.memref_slice %arg3[%mul3A_228] : memref<320000xi32, #tpu.memory_space<hbm>> -> memref<128xi32, #tpu.memory_space<hbm>>
      tpu.enqueue_dma source(%dma_start3A_230 : memref<128xi32, #tpu.memory_space<hbm>>) target(%arg7 : memref<128xi32, #tpu.memory_space<vmem>>) target_semaphore(%arg26 : memref<!tpu.dma_semaphore, #tpu.memory_space<semaphore_mem>>)
      %dma_start3A_231 = tpu.memref_slice %arg4[%mul3A_228] : memref<320000xi32, #tpu.memory_space<hbm>> -> memref<128xi32, #tpu.memory_space<hbm>>
      %dma_start3A_232 = tpu.memref_slice %arg4[%mul3A_228] : memref<320000xi32, #tpu.memory_space<hbm>> -> memref<128xi32, #tpu.memory_space<hbm>>
      tpu.enqueue_dma source(%dma_start3A_232 : memref<128xi32, #tpu.memory_space<hbm>>) target(%arg13 : memref<128xi32, #tpu.memory_space<vmem>>) target_semaphore(%arg26 : memref<!tpu.dma_semaphore, #tpu.memory_space<semaphore_mem>>)
      %add3A_233 = arith.constant 2 : i32
      %add3A_234 = arith.addi %mul3A_180, %add3A_233 : i32
      %add3A_235 = arith.constant 2 : i32
      %add3A_236 = arith.addi %add3A_234, %add3A_235 : i32
      %add3A_237 = arith.addi %mul3A_2, %add3A_236 : i32
      %mul3A_238 = arith.constant 128 : i32
      %mul3A_239 = arith.muli %add3A_237, %mul3A_238 : i32
      %dma_wait3A_240 = tpu.memref_slice %arg3[%mul3A_239] : memref<320000xi32, #tpu.memory_space<hbm>> -> memref<128xi32, #tpu.memory_space<hbm>>
      %dma_wait3A_241 = tpu.memref_slice %arg3[%mul3A_239] : memref<320000xi32, #tpu.memory_space<hbm>> -> memref<128xi32, #tpu.memory_space<hbm>>
      tpu.wait_dma2 semaphore(%arg30 : memref<!tpu.dma_semaphore, #tpu.memory_space<semaphore_mem>>) src(%dma_wait3A_241 : memref<128xi32, #tpu.memory_space<hbm>>) dst(%arg11 : memref<128xi32, #tpu.memory_space<vmem>>)
      %dma_wait3A_242 = tpu.memref_slice %arg4[%mul3A_239] : memref<320000xi32, #tpu.memory_space<hbm>> -> memref<128xi32, #tpu.memory_space<hbm>>
      %dma_wait3A_243 = tpu.memref_slice %arg4[%mul3A_239] : memref<320000xi32, #tpu.memory_space<hbm>> -> memref<128xi32, #tpu.memory_space<hbm>>
      tpu.wait_dma2 semaphore(%arg30 : memref<!tpu.dma_semaphore, #tpu.memory_space<semaphore_mem>>) src(%dma_wait3A_243 : memref<128xi32, #tpu.memory_space<hbm>>) dst(%arg17 : memref<128xi32, #tpu.memory_space<vmem>>)
      %dma_start3A_244 = arith.constant 0 : i32
      %dma_start3A_245 = arith.constant 0 : i32
      %dma_start3A_246 = tpu.memref_slice %arg2[%dma_start3A_244, %dma_start3A_245] : memref<10000x128xf32, #tpu.memory_space<hbm>> -> memref<10000x128xf32, #tpu.memory_space<hbm>>
      tpu.enqueue_indirect_dma source(%dma_start3A_246 : memref<10000x128xf32, #tpu.memory_space<hbm>>) target(%arg20 : memref<128x128xf32, #tpu.memory_space<vmem>>) offsets(%arg11 : memref<128xi32, #tpu.memory_space<vmem>>) semaphore(%arg24 : memref<!tpu.dma_semaphore, #tpu.memory_space<semaphore_mem>>)
      %dma_wait3A_247 = arith.constant 0 : i32
      %dma_wait3A_248 = arith.constant 0 : i32
      %dma_wait3A_249 = tpu.memref_slice %arg2[%dma_wait3A_247, %dma_wait3A_248] : memref<10000x128xf32, #tpu.memory_space<hbm>> -> memref<10000x128xf32, #tpu.memory_space<hbm>>
      tpu.wait_indirect_dma semaphore(%arg25 : memref<!tpu.dma_semaphore, #tpu.memory_space<semaphore_mem>>) src(%dma_wait3A_249 : memref<10000x128xf32, #tpu.memory_space<hbm>>) dst(%arg21 : memref<128x128xf32, #tpu.memory_space<vmem>>)
      "tpu.region"() ({
        %run_scoped3A = tpu.sem_alloc : memref<!tpu.dma_semaphore, #tpu.memory_space<semaphore_mem>>
        %dma_start3A_337 = arith.constant 0 : i32
        %dma_start3A_338 = arith.constant 0 : i32
        %dma_start3A_339 = tpu.memref_slice %arg22[%dma_start3A_337, %dma_start3A_338] : memref<10000x128xf32, #tpu.memory_space<vmem_shared>> -> memref<10000x128xf32, #tpu.memory_space<vmem_shared>>
        tpu.enqueue_indirect_dma source(%arg21 : memref<128x128xf32, #tpu.memory_space<vmem>>) target(%dma_start3A_339 : memref<10000x128xf32, #tpu.memory_space<vmem_shared>>) offsets(%arg15 : memref<128xi32, #tpu.memory_space<vmem>>) semaphore(%run_scoped3A : memref<!tpu.dma_semaphore, #tpu.memory_space<semaphore_mem>>) {add = true}
        %dma_wait3A_340 = arith.constant 0 : i32
        %dma_wait3A_341 = arith.constant 0 : i32
        %dma_wait3A_342 = tpu.memref_slice %arg22[%dma_wait3A_340, %dma_wait3A_341] : memref<10000x128xf32, #tpu.memory_space<vmem_shared>> -> memref<10000x128xf32, #tpu.memory_space<vmem_shared>>
        tpu.wait_indirect_dma semaphore(%run_scoped3A : memref<!tpu.dma_semaphore, #tpu.memory_space<semaphore_mem>>) src(%arg21 : memref<128x128xf32, #tpu.memory_space<vmem>>) dst(%dma_wait3A_342 : memref<10000x128xf32, #tpu.memory_space<vmem_shared>>)
        tpu.yield
      }) : () -> ()
      %add3A_250 = arith.constant 5 : i32
      %add3A_251 = arith.addi %add3A_234, %add3A_250 : i32
      %add3A_252 = arith.addi %mul3A_2, %add3A_251 : i32
      %mul3A_253 = arith.constant 128 : i32
      %mul3A_254 = arith.muli %add3A_252, %mul3A_253 : i32
      %dma_start3A_255 = tpu.memref_slice %arg3[%mul3A_254] : memref<320000xi32, #tpu.memory_space<hbm>> -> memref<128xi32, #tpu.memory_space<hbm>>
      %dma_start3A_256 = tpu.memref_slice %arg3[%mul3A_254] : memref<320000xi32, #tpu.memory_space<hbm>> -> memref<128xi32, #tpu.memory_space<hbm>>
      tpu.enqueue_dma source(%dma_start3A_256 : memref<128xi32, #tpu.memory_space<hbm>>) target(%arg8 : memref<128xi32, #tpu.memory_space<vmem>>) target_semaphore(%arg27 : memref<!tpu.dma_semaphore, #tpu.memory_space<semaphore_mem>>)
      %dma_start3A_257 = tpu.memref_slice %arg4[%mul3A_254] : memref<320000xi32, #tpu.memory_space<hbm>> -> memref<128xi32, #tpu.memory_space<hbm>>
      %dma_start3A_258 = tpu.memref_slice %arg4[%mul3A_254] : memref<320000xi32, #tpu.memory_space<hbm>> -> memref<128xi32, #tpu.memory_space<hbm>>
      tpu.enqueue_dma source(%dma_start3A_258 : memref<128xi32, #tpu.memory_space<hbm>>) target(%arg14 : memref<128xi32, #tpu.memory_space<vmem>>) target_semaphore(%arg27 : memref<!tpu.dma_semaphore, #tpu.memory_space<semaphore_mem>>)
      %add3A_259 = arith.constant 3 : i32
      %add3A_260 = arith.addi %mul3A_180, %add3A_259 : i32
      %add3A_261 = arith.constant 2 : i32
      %add3A_262 = arith.addi %add3A_260, %add3A_261 : i32
      %add3A_263 = arith.addi %mul3A_2, %add3A_262 : i32
      %mul3A_264 = arith.constant 128 : i32
      %mul3A_265 = arith.muli %add3A_263, %mul3A_264 : i32
      %dma_wait3A_266 = tpu.memref_slice %arg3[%mul3A_265] : memref<320000xi32, #tpu.memory_space<hbm>> -> memref<128xi32, #tpu.memory_space<hbm>>
      %dma_wait3A_267 = tpu.memref_slice %arg3[%mul3A_265] : memref<320000xi32, #tpu.memory_space<hbm>> -> memref<128xi32, #tpu.memory_space<hbm>>
      tpu.wait_dma2 semaphore(%arg31 : memref<!tpu.dma_semaphore, #tpu.memory_space<semaphore_mem>>) src(%dma_wait3A_267 : memref<128xi32, #tpu.memory_space<hbm>>) dst(%arg12 : memref<128xi32, #tpu.memory_space<vmem>>)
      %dma_wait3A_268 = tpu.memref_slice %arg4[%mul3A_265] : memref<320000xi32, #tpu.memory_space<hbm>> -> memref<128xi32, #tpu.memory_space<hbm>>
      %dma_wait3A_269 = tpu.memref_slice %arg4[%mul3A_265] : memref<320000xi32, #tpu.memory_space<hbm>> -> memref<128xi32, #tpu.memory_space<hbm>>
      tpu.wait_dma2 semaphore(%arg31 : memref<!tpu.dma_semaphore, #tpu.memory_space<semaphore_mem>>) src(%dma_wait3A_269 : memref<128xi32, #tpu.memory_space<hbm>>) dst(%arg18 : memref<128xi32, #tpu.memory_space<vmem>>)
      %dma_start3A_270 = arith.constant 0 : i32
      %dma_start3A_271 = arith.constant 0 : i32
      %dma_start3A_272 = tpu.memref_slice %arg2[%dma_start3A_270, %dma_start3A_271] : memref<10000x128xf32, #tpu.memory_space<hbm>> -> memref<10000x128xf32, #tpu.memory_space<hbm>>
      tpu.enqueue_indirect_dma source(%dma_start3A_272 : memref<10000x128xf32, #tpu.memory_space<hbm>>) target(%arg21 : memref<128x128xf32, #tpu.memory_space<vmem>>) offsets(%arg12 : memref<128xi32, #tpu.memory_space<vmem>>) semaphore(%arg25 : memref<!tpu.dma_semaphore, #tpu.memory_space<semaphore_mem>>)
      %dma_wait3A_273 = arith.constant 0 : i32
      %dma_wait3A_274 = arith.constant 0 : i32
      %dma_wait3A_275 = tpu.memref_slice %arg2[%dma_wait3A_273, %dma_wait3A_274] : memref<10000x128xf32, #tpu.memory_space<hbm>> -> memref<10000x128xf32, #tpu.memory_space<hbm>>
      tpu.wait_indirect_dma semaphore(%arg23 : memref<!tpu.dma_semaphore, #tpu.memory_space<semaphore_mem>>) src(%dma_wait3A_275 : memref<10000x128xf32, #tpu.memory_space<hbm>>) dst(%arg19 : memref<128x128xf32, #tpu.memory_space<vmem>>)
      "tpu.region"() ({
        %run_scoped3A = tpu.sem_alloc : memref<!tpu.dma_semaphore, #tpu.memory_space<semaphore_mem>>
        %dma_start3A_337 = arith.constant 0 : i32
        %dma_start3A_338 = arith.constant 0 : i32
        %dma_start3A_339 = tpu.memref_slice %arg22[%dma_start3A_337, %dma_start3A_338] : memref<10000x128xf32, #tpu.memory_space<vmem_shared>> -> memref<10000x128xf32, #tpu.memory_space<vmem_shared>>
        tpu.enqueue_indirect_dma source(%arg19 : memref<128x128xf32, #tpu.memory_space<vmem>>) target(%dma_start3A_339 : memref<10000x128xf32, #tpu.memory_space<vmem_shared>>) offsets(%arg16 : memref<128xi32, #tpu.memory_space<vmem>>) semaphore(%run_scoped3A : memref<!tpu.dma_semaphore, #tpu.memory_space<semaphore_mem>>) {add = true}
        %dma_wait3A_340 = arith.constant 0 : i32
        %dma_wait3A_341 = arith.constant 0 : i32
        %dma_wait3A_342 = tpu.memref_slice %arg22[%dma_wait3A_340, %dma_wait3A_341] : memref<10000x128xf32, #tpu.memory_space<vmem_shared>> -> memref<10000x128xf32, #tpu.memory_space<vmem_shared>>
        tpu.wait_indirect_dma semaphore(%run_scoped3A : memref<!tpu.dma_semaphore, #tpu.memory_space<semaphore_mem>>) src(%arg19 : memref<128x128xf32, #tpu.memory_space<vmem>>) dst(%dma_wait3A_342 : memref<10000x128xf32, #tpu.memory_space<vmem_shared>>)
        tpu.yield
      }) : () -> ()
      %add3A_276 = arith.constant 5 : i32
      %add3A_277 = arith.addi %add3A_260, %add3A_276 : i32
      %add3A_278 = arith.addi %mul3A_2, %add3A_277 : i32
      %mul3A_279 = arith.constant 128 : i32
      %mul3A_280 = arith.muli %add3A_278, %mul3A_279 : i32
      %dma_start3A_281 = tpu.memref_slice %arg3[%mul3A_280] : memref<320000xi32, #tpu.memory_space<hbm>> -> memref<128xi32, #tpu.memory_space<hbm>>
      %dma_start3A_282 = tpu.memref_slice %arg3[%mul3A_280] : memref<320000xi32, #tpu.memory_space<hbm>> -> memref<128xi32, #tpu.memory_space<hbm>>
      tpu.enqueue_dma source(%dma_start3A_282 : memref<128xi32, #tpu.memory_space<hbm>>) target(%arg9 : memref<128xi32, #tpu.memory_space<vmem>>) target_semaphore(%arg28 : memref<!tpu.dma_semaphore, #tpu.memory_space<semaphore_mem>>)
      %dma_start3A_283 = tpu.memref_slice %arg4[%mul3A_280] : memref<320000xi32, #tpu.memory_space<hbm>> -> memref<128xi32, #tpu.memory_space<hbm>>
      %dma_start3A_284 = tpu.memref_slice %arg4[%mul3A_280] : memref<320000xi32, #tpu.memory_space<hbm>> -> memref<128xi32, #tpu.memory_space<hbm>>
      tpu.enqueue_dma source(%dma_start3A_284 : memref<128xi32, #tpu.memory_space<hbm>>) target(%arg15 : memref<128xi32, #tpu.memory_space<vmem>>) target_semaphore(%arg28 : memref<!tpu.dma_semaphore, #tpu.memory_space<semaphore_mem>>)
      %add3A_285 = arith.constant 4 : i32
      %add3A_286 = arith.addi %mul3A_180, %add3A_285 : i32
      %add3A_287 = arith.constant 2 : i32
      %add3A_288 = arith.addi %add3A_286, %add3A_287 : i32
      %add3A_289 = arith.addi %mul3A_2, %add3A_288 : i32
      %mul3A_290 = arith.constant 128 : i32
      %mul3A_291 = arith.muli %add3A_289, %mul3A_290 : i32
      %dma_wait3A_292 = tpu.memref_slice %arg3[%mul3A_291] : memref<320000xi32, #tpu.memory_space<hbm>> -> memref<128xi32, #tpu.memory_space<hbm>>
      %dma_wait3A_293 = tpu.memref_slice %arg3[%mul3A_291] : memref<320000xi32, #tpu.memory_space<hbm>> -> memref<128xi32, #tpu.memory_space<hbm>>
      tpu.wait_dma2 semaphore(%arg26 : memref<!tpu.dma_semaphore, #tpu.memory_space<semaphore_mem>>) src(%dma_wait3A_293 : memref<128xi32, #tpu.memory_space<hbm>>) dst(%arg7 : memref<128xi32, #tpu.memory_space<vmem>>)
      %dma_wait3A_294 = tpu.memref_slice %arg4[%mul3A_291] : memref<320000xi32, #tpu.memory_space<hbm>> -> memref<128xi32, #tpu.memory_space<hbm>>
      %dma_wait3A_295 = tpu.memref_slice %arg4[%mul3A_291] : memref<320000xi32, #tpu.memory_space<hbm>> -> memref<128xi32, #tpu.memory_space<hbm>>
      tpu.wait_dma2 semaphore(%arg26 : memref<!tpu.dma_semaphore, #tpu.memory_space<semaphore_mem>>) src(%dma_wait3A_295 : memref<128xi32, #tpu.memory_space<hbm>>) dst(%arg13 : memref<128xi32, #tpu.memory_space<vmem>>)
      %dma_start3A_296 = arith.constant 0 : i32
      %dma_start3A_297 = arith.constant 0 : i32
      %dma_start3A_298 = tpu.memref_slice %arg2[%dma_start3A_296, %dma_start3A_297] : memref<10000x128xf32, #tpu.memory_space<hbm>> -> memref<10000x128xf32, #tpu.memory_space<hbm>>
      tpu.enqueue_indirect_dma source(%dma_start3A_298 : memref<10000x128xf32, #tpu.memory_space<hbm>>) target(%arg19 : memref<128x128xf32, #tpu.memory_space<vmem>>) offsets(%arg7 : memref<128xi32, #tpu.memory_space<vmem>>) semaphore(%arg23 : memref<!tpu.dma_semaphore, #tpu.memory_space<semaphore_mem>>)
      %dma_wait3A_299 = arith.constant 0 : i32
      %dma_wait3A_300 = arith.constant 0 : i32
      %dma_wait3A_301 = tpu.memref_slice %arg2[%dma_wait3A_299, %dma_wait3A_300] : memref<10000x128xf32, #tpu.memory_space<hbm>> -> memref<10000x128xf32, #tpu.memory_space<hbm>>
      tpu.wait_indirect_dma semaphore(%arg24 : memref<!tpu.dma_semaphore, #tpu.memory_space<semaphore_mem>>) src(%dma_wait3A_301 : memref<10000x128xf32, #tpu.memory_space<hbm>>) dst(%arg20 : memref<128x128xf32, #tpu.memory_space<vmem>>)
      "tpu.region"() ({
        %run_scoped3A = tpu.sem_alloc : memref<!tpu.dma_semaphore, #tpu.memory_space<semaphore_mem>>
        %dma_start3A_337 = arith.constant 0 : i32
        %dma_start3A_338 = arith.constant 0 : i32
        %dma_start3A_339 = tpu.memref_slice %arg22[%dma_start3A_337, %dma_start3A_338] : memref<10000x128xf32, #tpu.memory_space<vmem_shared>> -> memref<10000x128xf32, #tpu.memory_space<vmem_shared>>
        tpu.enqueue_indirect_dma source(%arg20 : memref<128x128xf32, #tpu.memory_space<vmem>>) target(%dma_start3A_339 : memref<10000x128xf32, #tpu.memory_space<vmem_shared>>) offsets(%arg17 : memref<128xi32, #tpu.memory_space<vmem>>) semaphore(%run_scoped3A : memref<!tpu.dma_semaphore, #tpu.memory_space<semaphore_mem>>) {add = true}
        %dma_wait3A_340 = arith.constant 0 : i32
        %dma_wait3A_341 = arith.constant 0 : i32
        %dma_wait3A_342 = tpu.memref_slice %arg22[%dma_wait3A_340, %dma_wait3A_341] : memref<10000x128xf32, #tpu.memory_space<vmem_shared>> -> memref<10000x128xf32, #tpu.memory_space<vmem_shared>>
        tpu.wait_indirect_dma semaphore(%run_scoped3A : memref<!tpu.dma_semaphore, #tpu.memory_space<semaphore_mem>>) src(%arg20 : memref<128x128xf32, #tpu.memory_space<vmem>>) dst(%dma_wait3A_342 : memref<10000x128xf32, #tpu.memory_space<vmem_shared>>)
        tpu.yield
      }) : () -> ()
      %add3A_302 = arith.constant 5 : i32
      %add3A_303 = arith.addi %add3A_286, %add3A_302 : i32
      %add3A_304 = arith.addi %mul3A_2, %add3A_303 : i32
      %mul3A_305 = arith.constant 128 : i32
      %mul3A_306 = arith.muli %add3A_304, %mul3A_305 : i32
      %dma_start3A_307 = tpu.memref_slice %arg3[%mul3A_306] : memref<320000xi32, #tpu.memory_space<hbm>> -> memref<128xi32, #tpu.memory_space<hbm>>
      %dma_start3A_308 = tpu.memref_slice %arg3[%mul3A_306] : memref<320000xi32, #tpu.memory_space<hbm>> -> memref<128xi32, #tpu.memory_space<hbm>>
      tpu.enqueue_dma source(%dma_start3A_308 : memref<128xi32, #tpu.memory_space<hbm>>) target(%arg10 : memref<128xi32, #tpu.memory_space<vmem>>) target_semaphore(%arg29 : memref<!tpu.dma_semaphore, #tpu.memory_space<semaphore_mem>>)
      %dma_start3A_309 = tpu.memref_slice %arg4[%mul3A_306] : memref<320000xi32, #tpu.memory_space<hbm>> -> memref<128xi32, #tpu.memory_space<hbm>>
      %dma_start3A_310 = tpu.memref_slice %arg4[%mul3A_306] : memref<320000xi32, #tpu.memory_space<hbm>> -> memref<128xi32, #tpu.memory_space<hbm>>
      tpu.enqueue_dma source(%dma_start3A_310 : memref<128xi32, #tpu.memory_space<hbm>>) target(%arg16 : memref<128xi32, #tpu.memory_space<vmem>>) target_semaphore(%arg29 : memref<!tpu.dma_semaphore, #tpu.memory_space<semaphore_mem>>)
      %add3A_311 = arith.constant 5 : i32
      %add3A_312 = arith.addi %mul3A_180, %add3A_311 : i32
      %add3A_313 = arith.constant 2 : i32
      %add3A_314 = arith.addi %add3A_312, %add3A_313 : i32
      %add3A_315 = arith.addi %mul3A_2, %add3A_314 : i32
      %mul3A_316 = arith.constant 128 : i32
      %mul3A_317 = arith.muli %add3A_315, %mul3A_316 : i32
      %dma_wait3A_318 = tpu.memref_slice %arg3[%mul3A_317] : memref<320000xi32, #tpu.memory_space<hbm>> -> memref<128xi32, #tpu.memory_space<hbm>>
      %dma_wait3A_319 = tpu.memref_slice %arg3[%mul3A_317] : memref<320000xi32, #tpu.memory_space<hbm>> -> memref<128xi32, #tpu.memory_space<hbm>>
      tpu.wait_dma2 semaphore(%arg27 : memref<!tpu.dma_semaphore, #tpu.memory_space<semaphore_mem>>) src(%dma_wait3A_319 : memref<128xi32, #tpu.memory_space<hbm>>) dst(%arg8 : memref<128xi32, #tpu.memory_space<vmem>>)
      %dma_wait3A_320 = tpu.memref_slice %arg4[%mul3A_317] : memref<320000xi32, #tpu.memory_space<hbm>> -> memref<128xi32, #tpu.memory_space<hbm>>
      %dma_wait3A_321 = tpu.memref_slice %arg4[%mul3A_317] : memref<320000xi32, #tpu.memory_space<hbm>> -> memref<128xi32, #tpu.memory_space<hbm>>
      tpu.wait_dma2 semaphore(%arg27 : memref<!tpu.dma_semaphore, #tpu.memory_space<semaphore_mem>>) src(%dma_wait3A_321 : memref<128xi32, #tpu.memory_space<hbm>>) dst(%arg14 : memref<128xi32, #tpu.memory_space<vmem>>)
      %dma_start3A_322 = arith.constant 0 : i32
      %dma_start3A_323 = arith.constant 0 : i32
      %dma_start3A_324 = tpu.memref_slice %arg2[%dma_start3A_322, %dma_start3A_323] : memref<10000x128xf32, #tpu.memory_space<hbm>> -> memref<10000x128xf32, #tpu.memory_space<hbm>>
      tpu.enqueue_indirect_dma source(%dma_start3A_324 : memref<10000x128xf32, #tpu.memory_space<hbm>>) target(%arg20 : memref<128x128xf32, #tpu.memory_space<vmem>>) offsets(%arg8 : memref<128xi32, #tpu.memory_space<vmem>>) semaphore(%arg24 : memref<!tpu.dma_semaphore, #tpu.memory_space<semaphore_mem>>)
      %dma_wait3A_325 = arith.constant 0 : i32
      %dma_wait3A_326 = arith.constant 0 : i32
      %dma_wait3A_327 = tpu.memref_slice %arg2[%dma_wait3A_325, %dma_wait3A_326] : memref<10000x128xf32, #tpu.memory_space<hbm>> -> memref<10000x128xf32, #tpu.memory_space<hbm>>
      tpu.wait_indirect_dma semaphore(%arg25 : memref<!tpu.dma_semaphore, #tpu.memory_space<semaphore_mem>>) src(%dma_wait3A_327 : memref<10000x128xf32, #tpu.memory_space<hbm>>) dst(%arg21 : memref<128x128xf32, #tpu.memory_space<vmem>>)
      "tpu.region"() ({
        %run_scoped3A = tpu.sem_alloc : memref<!tpu.dma_semaphore, #tpu.memory_space<semaphore_mem>>
        %dma_start3A_337 = arith.constant 0 : i32
        %dma_start3A_338 = arith.constant 0 : i32
        %dma_start3A_339 = tpu.memref_slice %arg22[%dma_start3A_337, %dma_start3A_338] : memref<10000x128xf32, #tpu.memory_space<vmem_shared>> -> memref<10000x128xf32, #tpu.memory_space<vmem_shared>>
        tpu.enqueue_indirect_dma source(%arg21 : memref<128x128xf32, #tpu.memory_space<vmem>>) target(%dma_start3A_339 : memref<10000x128xf32, #tpu.memory_space<vmem_shared>>) offsets(%arg18 : memref<128xi32, #tpu.memory_space<vmem>>) semaphore(%run_scoped3A : memref<!tpu.dma_semaphore, #tpu.memory_space<semaphore_mem>>) {add = true}
        %dma_wait3A_340 = arith.constant 0 : i32
        %dma_wait3A_341 = arith.constant 0 : i32
        %dma_wait3A_342 = tpu.memref_slice %arg22[%dma_wait3A_340, %dma_wait3A_341] : memref<10000x128xf32, #tpu.memory_space<vmem_shared>> -> memref<10000x128xf32, #tpu.memory_space<vmem_shared>>
        tpu.wait_indirect_dma semaphore(%run_scoped3A : memref<!tpu.dma_semaphore, #tpu.memory_space<semaphore_mem>>) src(%arg21 : memref<128x128xf32, #tpu.memory_space<vmem>>) dst(%dma_wait3A_342 : memref<10000x128xf32, #tpu.memory_space<vmem_shared>>)
        tpu.yield
      }) : () -> ()
      %add3A_328 = arith.constant 5 : i32
      %add3A_329 = arith.addi %add3A_312, %add3A_328 : i32
      %add3A_330 = arith.addi %mul3A_2, %add3A_329 : i32
      %mul3A_331 = arith.constant 128 : i32
      %mul3A_332 = arith.muli %add3A_330, %mul3A_331 : i32
      %dma_start3A_333 = tpu.memref_slice %arg3[%mul3A_332] : memref<320000xi32, #tpu.memory_space<hbm>> -> memref<128xi32, #tpu.memory_space<hbm>>
      %dma_start3A_334 = tpu.memref_slice %arg3[%mul3A_332] : memref<320000xi32, #tpu.memory_space<hbm>> -> memref<128xi32, #tpu.memory_space<hbm>>
      tpu.enqueue_dma source(%dma_start3A_334 : memref<128xi32, #tpu.memory_space<hbm>>) target(%arg11 : memref<128xi32, #tpu.memory_space<vmem>>) target_semaphore(%arg30 : memref<!tpu.dma_semaphore, #tpu.memory_space<semaphore_mem>>)
      %dma_start3A_335 = tpu.memref_slice %arg4[%mul3A_332] : memref<320000xi32, #tpu.memory_space<hbm>> -> memref<128xi32, #tpu.memory_space<hbm>>
      %dma_start3A_336 = tpu.memref_slice %arg4[%mul3A_332] : memref<320000xi32, #tpu.memory_space<hbm>> -> memref<128xi32, #tpu.memory_space<hbm>>
      tpu.enqueue_dma source(%dma_start3A_336 : memref<128xi32, #tpu.memory_space<hbm>>) target(%arg17 : memref<128xi32, #tpu.memory_space<vmem>>) target_semaphore(%arg30 : memref<!tpu.dma_semaphore, #tpu.memory_space<semaphore_mem>>)
    }
    %scan3A_87 = arith.constant 12 : i32
    %add3A_88 = arith.constant 74 : i32
    %add3A_89 = arith.addi %mul3A_2, %add3A_88 : i32
    %mul3A_90 = arith.constant 128 : i32
    %mul3A_91 = arith.muli %add3A_89, %mul3A_90 : i32
    %dma_wait3A_92 = tpu.memref_slice %arg3[%mul3A_91] : memref<320000xi32, #tpu.memory_space<hbm>> -> memref<128xi32, #tpu.memory_space<hbm>>
    %dma_wait3A_93 = tpu.memref_slice %arg3[%mul3A_91] : memref<320000xi32, #tpu.memory_space<hbm>> -> memref<128xi32, #tpu.memory_space<hbm>>
    tpu.wait_dma2 semaphore(%arg28 : memref<!tpu.dma_semaphore, #tpu.memory_space<semaphore_mem>>) src(%dma_wait3A_93 : memref<128xi32, #tpu.memory_space<hbm>>) dst(%arg9 : memref<128xi32, #tpu.memory_space<vmem>>)
    %dma_wait3A_94 = tpu.memref_slice %arg4[%mul3A_91] : memref<320000xi32, #tpu.memory_space<hbm>> -> memref<128xi32, #tpu.memory_space<hbm>>
    %dma_wait3A_95 = tpu.memref_slice %arg4[%mul3A_91] : memref<320000xi32, #tpu.memory_space<hbm>> -> memref<128xi32, #tpu.memory_space<hbm>>
    tpu.wait_dma2 semaphore(%arg28 : memref<!tpu.dma_semaphore, #tpu.memory_space<semaphore_mem>>) src(%dma_wait3A_95 : memref<128xi32, #tpu.memory_space<hbm>>) dst(%arg15 : memref<128xi32, #tpu.memory_space<vmem>>)
    %dma_start3A_96 = arith.constant 0 : i32
    %dma_start3A_97 = arith.constant 0 : i32
    %dma_start3A_98 = tpu.memref_slice %arg2[%dma_start3A_96, %dma_start3A_97] : memref<10000x128xf32, #tpu.memory_space<hbm>> -> memref<10000x128xf32, #tpu.memory_space<hbm>>
    tpu.enqueue_indirect_dma source(%dma_start3A_98 : memref<10000x128xf32, #tpu.memory_space<hbm>>) target(%arg21 : memref<128x128xf32, #tpu.memory_space<vmem>>) offsets(%arg9 : memref<128xi32, #tpu.memory_space<vmem>>) semaphore(%arg25 : memref<!tpu.dma_semaphore, #tpu.memory_space<semaphore_mem>>)
    %dma_wait3A_99 = arith.constant 0 : i32
    %dma_wait3A_100 = arith.constant 0 : i32
    %dma_wait3A_101 = tpu.memref_slice %arg2[%dma_wait3A_99, %dma_wait3A_100] : memref<10000x128xf32, #tpu.memory_space<hbm>> -> memref<10000x128xf32, #tpu.memory_space<hbm>>
    tpu.wait_indirect_dma semaphore(%arg23 : memref<!tpu.dma_semaphore, #tpu.memory_space<semaphore_mem>>) src(%dma_wait3A_101 : memref<10000x128xf32, #tpu.memory_space<hbm>>) dst(%arg19 : memref<128x128xf32, #tpu.memory_space<vmem>>)
    "tpu.region"() ({
      %run_scoped3A = tpu.sem_alloc : memref<!tpu.dma_semaphore, #tpu.memory_space<semaphore_mem>>
      %dma_start3A_178 = arith.constant 0 : i32
      %dma_start3A_179 = arith.constant 0 : i32
      %dma_start3A_180 = tpu.memref_slice %arg22[%dma_start3A_178, %dma_start3A_179] : memref<10000x128xf32, #tpu.memory_space<vmem_shared>> -> memref<10000x128xf32, #tpu.memory_space<vmem_shared>>
      tpu.enqueue_indirect_dma source(%arg19 : memref<128x128xf32, #tpu.memory_space<vmem>>) target(%dma_start3A_180 : memref<10000x128xf32, #tpu.memory_space<vmem_shared>>) offsets(%arg13 : memref<128xi32, #tpu.memory_space<vmem>>) semaphore(%run_scoped3A : memref<!tpu.dma_semaphore, #tpu.memory_space<semaphore_mem>>) {add = true}
      %dma_wait3A_181 = arith.constant 0 : i32
      %dma_wait3A_182 = arith.constant 0 : i32
      %dma_wait3A_183 = tpu.memref_slice %arg22[%dma_wait3A_181, %dma_wait3A_182] : memref<10000x128xf32, #tpu.memory_space<vmem_shared>> -> memref<10000x128xf32, #tpu.memory_space<vmem_shared>>
      tpu.wait_indirect_dma semaphore(%run_scoped3A : memref<!tpu.dma_semaphore, #tpu.memory_space<semaphore_mem>>) src(%arg19 : memref<128x128xf32, #tpu.memory_space<vmem>>) dst(%dma_wait3A_183 : memref<10000x128xf32, #tpu.memory_space<vmem_shared>>)
      tpu.yield
    }) : () -> ()
    %add3A_102 = arith.constant 77 : i32
    %add3A_103 = arith.addi %mul3A_2, %add3A_102 : i32
    %mul3A_104 = arith.constant 128 : i32
    %mul3A_105 = arith.muli %add3A_103, %mul3A_104 : i32
    %dma_start3A_106 = tpu.memref_slice %arg3[%mul3A_105] : memref<320000xi32, #tpu.memory_space<hbm>> -> memref<128xi32, #tpu.memory_space<hbm>>
    %dma_start3A_107 = tpu.memref_slice %arg3[%mul3A_105] : memref<320000xi32, #tpu.memory_space<hbm>> -> memref<128xi32, #tpu.memory_space<hbm>>
    tpu.enqueue_dma source(%dma_start3A_107 : memref<128xi32, #tpu.memory_space<hbm>>) target(%arg12 : memref<128xi32, #tpu.memory_space<vmem>>) target_semaphore(%arg31 : memref<!tpu.dma_semaphore, #tpu.memory_space<semaphore_mem>>)
    %dma_start3A_108 = tpu.memref_slice %arg4[%mul3A_105] : memref<320000xi32, #tpu.memory_space<hbm>> -> memref<128xi32, #tpu.memory_space<hbm>>
    %dma_start3A_109 = tpu.memref_slice %arg4[%mul3A_105] : memref<320000xi32, #tpu.memory_space<hbm>> -> memref<128xi32, #tpu.memory_space<hbm>>
    tpu.enqueue_dma source(%dma_start3A_109 : memref<128xi32, #tpu.memory_space<hbm>>) target(%arg18 : memref<128xi32, #tpu.memory_space<vmem>>) target_semaphore(%arg31 : memref<!tpu.dma_semaphore, #tpu.memory_space<semaphore_mem>>)
    %convert_element_type3A_110 = arith.extui %lt3A_3 : i1 to i32
    %cond3A_111 = arith.constant 0 : i32
    %cond3A_112 = arith.cmpi ne, %convert_element_type3A_110, %cond3A_111 : i32
    scf.if %cond3A_112 {
      %mul3A_178 = arith.constant 128 : i32
      %mul3A_179 = arith.muli %add3A_5, %mul3A_178 : i32
      %dma_start3A_180 = tpu.memref_slice %arg3[%mul3A_179] : memref<320000xi32, #tpu.memory_space<hbm>> -> memref<128xi32, #tpu.memory_space<hbm>>
      %dma_start3A_181 = tpu.memref_slice %arg3[%mul3A_179] : memref<320000xi32, #tpu.memory_space<hbm>> -> memref<128xi32, #tpu.memory_space<hbm>>
      tpu.enqueue_dma source(%dma_start3A_181 : memref<128xi32, #tpu.memory_space<hbm>>) target(%arg7 : memref<128xi32, #tpu.memory_space<vmem>>) target_semaphore(%arg26 : memref<!tpu.dma_semaphore, #tpu.memory_space<semaphore_mem>>)
      %dma_start3A_182 = tpu.memref_slice %arg4[%mul3A_179] : memref<320000xi32, #tpu.memory_space<hbm>> -> memref<128xi32, #tpu.memory_space<hbm>>
      %dma_start3A_183 = tpu.memref_slice %arg4[%mul3A_179] : memref<320000xi32, #tpu.memory_space<hbm>> -> memref<128xi32, #tpu.memory_space<hbm>>
      tpu.enqueue_dma source(%dma_start3A_183 : memref<128xi32, #tpu.memory_space<hbm>>) target(%arg13 : memref<128xi32, #tpu.memory_space<vmem>>) target_semaphore(%arg26 : memref<!tpu.dma_semaphore, #tpu.memory_space<semaphore_mem>>)
    } else {
    }
    %add3A_113 = arith.constant 75 : i32
    %add3A_114 = arith.addi %mul3A_2, %add3A_113 : i32
    %mul3A_115 = arith.constant 128 : i32
    %mul3A_116 = arith.muli %add3A_114, %mul3A_115 : i32
    %dma_wait3A_117 = tpu.memref_slice %arg3[%mul3A_116] : memref<320000xi32, #tpu.memory_space<hbm>> -> memref<128xi32, #tpu.memory_space<hbm>>
    %dma_wait3A_118 = tpu.memref_slice %arg3[%mul3A_116] : memref<320000xi32, #tpu.memory_space<hbm>> -> memref<128xi32, #tpu.memory_space<hbm>>
    tpu.wait_dma2 semaphore(%arg29 : memref<!tpu.dma_semaphore, #tpu.memory_space<semaphore_mem>>) src(%dma_wait3A_118 : memref<128xi32, #tpu.memory_space<hbm>>) dst(%arg10 : memref<128xi32, #tpu.memory_space<vmem>>)
    %dma_wait3A_119 = tpu.memref_slice %arg4[%mul3A_116] : memref<320000xi32, #tpu.memory_space<hbm>> -> memref<128xi32, #tpu.memory_space<hbm>>
    %dma_wait3A_120 = tpu.memref_slice %arg4[%mul3A_116] : memref<320000xi32, #tpu.memory_space<hbm>> -> memref<128xi32, #tpu.memory_space<hbm>>
    tpu.wait_dma2 semaphore(%arg29 : memref<!tpu.dma_semaphore, #tpu.memory_space<semaphore_mem>>) src(%dma_wait3A_120 : memref<128xi32, #tpu.memory_space<hbm>>) dst(%arg16 : memref<128xi32, #tpu.memory_space<vmem>>)
    %dma_start3A_121 = arith.constant 0 : i32
    %dma_start3A_122 = arith.constant 0 : i32
    %dma_start3A_123 = tpu.memref_slice %arg2[%dma_start3A_121, %dma_start3A_122] : memref<10000x128xf32, #tpu.memory_space<hbm>> -> memref<10000x128xf32, #tpu.memory_space<hbm>>
    tpu.enqueue_indirect_dma source(%dma_start3A_123 : memref<10000x128xf32, #tpu.memory_space<hbm>>) target(%arg19 : memref<128x128xf32, #tpu.memory_space<vmem>>) offsets(%arg10 : memref<128xi32, #tpu.memory_space<vmem>>) semaphore(%arg23 : memref<!tpu.dma_semaphore, #tpu.memory_space<semaphore_mem>>)
    %dma_wait3A_124 = arith.constant 0 : i32
    %dma_wait3A_125 = arith.constant 0 : i32
    %dma_wait3A_126 = tpu.memref_slice %arg2[%dma_wait3A_124, %dma_wait3A_125] : memref<10000x128xf32, #tpu.memory_space<hbm>> -> memref<10000x128xf32, #tpu.memory_space<hbm>>
    tpu.wait_indirect_dma semaphore(%arg24 : memref<!tpu.dma_semaphore, #tpu.memory_space<semaphore_mem>>) src(%dma_wait3A_126 : memref<10000x128xf32, #tpu.memory_space<hbm>>) dst(%arg20 : memref<128x128xf32, #tpu.memory_space<vmem>>)
    "tpu.region"() ({
      %run_scoped3A = tpu.sem_alloc : memref<!tpu.dma_semaphore, #tpu.memory_space<semaphore_mem>>
      %dma_start3A_178 = arith.constant 0 : i32
      %dma_start3A_179 = arith.constant 0 : i32
      %dma_start3A_180 = tpu.memref_slice %arg22[%dma_start3A_178, %dma_start3A_179] : memref<10000x128xf32, #tpu.memory_space<vmem_shared>> -> memref<10000x128xf32, #tpu.memory_space<vmem_shared>>
      tpu.enqueue_indirect_dma source(%arg20 : memref<128x128xf32, #tpu.memory_space<vmem>>) target(%dma_start3A_180 : memref<10000x128xf32, #tpu.memory_space<vmem_shared>>) offsets(%arg14 : memref<128xi32, #tpu.memory_space<vmem>>) semaphore(%run_scoped3A : memref<!tpu.dma_semaphore, #tpu.memory_space<semaphore_mem>>) {add = true}
      %dma_wait3A_181 = arith.constant 0 : i32
      %dma_wait3A_182 = arith.constant 0 : i32
      %dma_wait3A_183 = tpu.memref_slice %arg22[%dma_wait3A_181, %dma_wait3A_182] : memref<10000x128xf32, #tpu.memory_space<vmem_shared>> -> memref<10000x128xf32, #tpu.memory_space<vmem_shared>>
      tpu.wait_indirect_dma semaphore(%run_scoped3A : memref<!tpu.dma_semaphore, #tpu.memory_space<semaphore_mem>>) src(%arg20 : memref<128x128xf32, #tpu.memory_space<vmem>>) dst(%dma_wait3A_183 : memref<10000x128xf32, #tpu.memory_space<vmem_shared>>)
      tpu.yield
    }) : () -> ()
    %add3A_127 = arith.constant 76 : i32
    %add3A_128 = arith.addi %mul3A_2, %add3A_127 : i32
    %mul3A_129 = arith.constant 128 : i32
    %mul3A_130 = arith.muli %add3A_128, %mul3A_129 : i32
    %dma_wait3A_131 = tpu.memref_slice %arg3[%mul3A_130] : memref<320000xi32, #tpu.memory_space<hbm>> -> memref<128xi32, #tpu.memory_space<hbm>>
    %dma_wait3A_132 = tpu.memref_slice %arg3[%mul3A_130] : memref<320000xi32, #tpu.memory_space<hbm>> -> memref<128xi32, #tpu.memory_space<hbm>>
    tpu.wait_dma2 semaphore(%arg30 : memref<!tpu.dma_semaphore, #tpu.memory_space<semaphore_mem>>) src(%dma_wait3A_132 : memref<128xi32, #tpu.memory_space<hbm>>) dst(%arg11 : memref<128xi32, #tpu.memory_space<vmem>>)
    %dma_wait3A_133 = tpu.memref_slice %arg4[%mul3A_130] : memref<320000xi32, #tpu.memory_space<hbm>> -> memref<128xi32, #tpu.memory_space<hbm>>
    %dma_wait3A_134 = tpu.memref_slice %arg4[%mul3A_130] : memref<320000xi32, #tpu.memory_space<hbm>> -> memref<128xi32, #tpu.memory_space<hbm>>
    tpu.wait_dma2 semaphore(%arg30 : memref<!tpu.dma_semaphore, #tpu.memory_space<semaphore_mem>>) src(%dma_wait3A_134 : memref<128xi32, #tpu.memory_space<hbm>>) dst(%arg17 : memref<128xi32, #tpu.memory_space<vmem>>)
    %dma_start3A_135 = arith.constant 0 : i32
    %dma_start3A_136 = arith.constant 0 : i32
    %dma_start3A_137 = tpu.memref_slice %arg2[%dma_start3A_135, %dma_start3A_136] : memref<10000x128xf32, #tpu.memory_space<hbm>> -> memref<10000x128xf32, #tpu.memory_space<hbm>>
    tpu.enqueue_indirect_dma source(%dma_start3A_137 : memref<10000x128xf32, #tpu.memory_space<hbm>>) target(%arg20 : memref<128x128xf32, #tpu.memory_space<vmem>>) offsets(%arg11 : memref<128xi32, #tpu.memory_space<vmem>>) semaphore(%arg24 : memref<!tpu.dma_semaphore, #tpu.memory_space<semaphore_mem>>)
    %dma_wait3A_138 = arith.constant 0 : i32
    %dma_wait3A_139 = arith.constant 0 : i32
    %dma_wait3A_140 = tpu.memref_slice %arg2[%dma_wait3A_138, %dma_wait3A_139] : memref<10000x128xf32, #tpu.memory_space<hbm>> -> memref<10000x128xf32, #tpu.memory_space<hbm>>
    tpu.wait_indirect_dma semaphore(%arg25 : memref<!tpu.dma_semaphore, #tpu.memory_space<semaphore_mem>>) src(%dma_wait3A_140 : memref<10000x128xf32, #tpu.memory_space<hbm>>) dst(%arg21 : memref<128x128xf32, #tpu.memory_space<vmem>>)
    "tpu.region"() ({
      %run_scoped3A = tpu.sem_alloc : memref<!tpu.dma_semaphore, #tpu.memory_space<semaphore_mem>>
      %dma_start3A_178 = arith.constant 0 : i32
      %dma_start3A_179 = arith.constant 0 : i32
      %dma_start3A_180 = tpu.memref_slice %arg22[%dma_start3A_178, %dma_start3A_179] : memref<10000x128xf32, #tpu.memory_space<vmem_shared>> -> memref<10000x128xf32, #tpu.memory_space<vmem_shared>>
      tpu.enqueue_indirect_dma source(%arg21 : memref<128x128xf32, #tpu.memory_space<vmem>>) target(%dma_start3A_180 : memref<10000x128xf32, #tpu.memory_space<vmem_shared>>) offsets(%arg15 : memref<128xi32, #tpu.memory_space<vmem>>) semaphore(%run_scoped3A : memref<!tpu.dma_semaphore, #tpu.memory_space<semaphore_mem>>) {add = true}
      %dma_wait3A_181 = arith.constant 0 : i32
      %dma_wait3A_182 = arith.constant 0 : i32
      %dma_wait3A_183 = tpu.memref_slice %arg22[%dma_wait3A_181, %dma_wait3A_182] : memref<10000x128xf32, #tpu.memory_space<vmem_shared>> -> memref<10000x128xf32, #tpu.memory_space<vmem_shared>>
      tpu.wait_indirect_dma semaphore(%run_scoped3A : memref<!tpu.dma_semaphore, #tpu.memory_space<semaphore_mem>>) src(%arg21 : memref<128x128xf32, #tpu.memory_space<vmem>>) dst(%dma_wait3A_183 : memref<10000x128xf32, #tpu.memory_space<vmem_shared>>)
      tpu.yield
    }) : () -> ()
    %add3A_141 = arith.constant 77 : i32
    %add3A_142 = arith.addi %mul3A_2, %add3A_141 : i32
    %mul3A_143 = arith.constant 128 : i32
    %mul3A_144 = arith.muli %add3A_142, %mul3A_143 : i32
    %dma_wait3A_145 = tpu.memref_slice %arg3[%mul3A_144] : memref<320000xi32, #tpu.memory_space<hbm>> -> memref<128xi32, #tpu.memory_space<hbm>>
    %dma_wait3A_146 = tpu.memref_slice %arg3[%mul3A_144] : memref<320000xi32, #tpu.memory_space<hbm>> -> memref<128xi32, #tpu.memory_space<hbm>>
    tpu.wait_dma2 semaphore(%arg31 : memref<!tpu.dma_semaphore, #tpu.memory_space<semaphore_mem>>) src(%dma_wait3A_146 : memref<128xi32, #tpu.memory_space<hbm>>) dst(%arg12 : memref<128xi32, #tpu.memory_space<vmem>>)
    %dma_wait3A_147 = tpu.memref_slice %arg4[%mul3A_144] : memref<320000xi32, #tpu.memory_space<hbm>> -> memref<128xi32, #tpu.memory_space<hbm>>
    %dma_wait3A_148 = tpu.memref_slice %arg4[%mul3A_144] : memref<320000xi32, #tpu.memory_space<hbm>> -> memref<128xi32, #tpu.memory_space<hbm>>
    tpu.wait_dma2 semaphore(%arg31 : memref<!tpu.dma_semaphore, #tpu.memory_space<semaphore_mem>>) src(%dma_wait3A_148 : memref<128xi32, #tpu.memory_space<hbm>>) dst(%arg18 : memref<128xi32, #tpu.memory_space<vmem>>)
    %dma_start3A_149 = arith.constant 0 : i32
    %dma_start3A_150 = arith.constant 0 : i32
    %dma_start3A_151 = tpu.memref_slice %arg2[%dma_start3A_149, %dma_start3A_150] : memref<10000x128xf32, #tpu.memory_space<hbm>> -> memref<10000x128xf32, #tpu.memory_space<hbm>>
    tpu.enqueue_indirect_dma source(%dma_start3A_151 : memref<10000x128xf32, #tpu.memory_space<hbm>>) target(%arg21 : memref<128x128xf32, #tpu.memory_space<vmem>>) offsets(%arg12 : memref<128xi32, #tpu.memory_space<vmem>>) semaphore(%arg25 : memref<!tpu.dma_semaphore, #tpu.memory_space<semaphore_mem>>)
    %dma_wait3A_152 = arith.constant 0 : i32
    %dma_wait3A_153 = arith.constant 0 : i32
    %dma_wait3A_154 = tpu.memref_slice %arg2[%dma_wait3A_152, %dma_wait3A_153] : memref<10000x128xf32, #tpu.memory_space<hbm>> -> memref<10000x128xf32, #tpu.memory_space<hbm>>
    tpu.wait_indirect_dma semaphore(%arg23 : memref<!tpu.dma_semaphore, #tpu.memory_space<semaphore_mem>>) src(%dma_wait3A_154 : memref<10000x128xf32, #tpu.memory_space<hbm>>) dst(%arg19 : memref<128x128xf32, #tpu.memory_space<vmem>>)
    "tpu.region"() ({
      %run_scoped3A = tpu.sem_alloc : memref<!tpu.dma_semaphore, #tpu.memory_space<semaphore_mem>>
      %dma_start3A_178 = arith.constant 0 : i32
      %dma_start3A_179 = arith.constant 0 : i32
      %dma_start3A_180 = tpu.memref_slice %arg22[%dma_start3A_178, %dma_start3A_179] : memref<10000x128xf32, #tpu.memory_space<vmem_shared>> -> memref<10000x128xf32, #tpu.memory_space<vmem_shared>>
      tpu.enqueue_indirect_dma source(%arg19 : memref<128x128xf32, #tpu.memory_space<vmem>>) target(%dma_start3A_180 : memref<10000x128xf32, #tpu.memory_space<vmem_shared>>) offsets(%arg16 : memref<128xi32, #tpu.memory_space<vmem>>) semaphore(%run_scoped3A : memref<!tpu.dma_semaphore, #tpu.memory_space<semaphore_mem>>) {add = true}
      %dma_wait3A_181 = arith.constant 0 : i32
      %dma_wait3A_182 = arith.constant 0 : i32
      %dma_wait3A_183 = tpu.memref_slice %arg22[%dma_wait3A_181, %dma_wait3A_182] : memref<10000x128xf32, #tpu.memory_space<vmem_shared>> -> memref<10000x128xf32, #tpu.memory_space<vmem_shared>>
      tpu.wait_indirect_dma semaphore(%run_scoped3A : memref<!tpu.dma_semaphore, #tpu.memory_space<semaphore_mem>>) src(%arg19 : memref<128x128xf32, #tpu.memory_space<vmem>>) dst(%dma_wait3A_183 : memref<10000x128xf32, #tpu.memory_space<vmem_shared>>)
      tpu.yield
    }) : () -> ()
    %convert_element_type3A_155 = arith.extui %lt3A_3 : i1 to i32
    %cond3A_156 = arith.constant 0 : i32
    %cond3A_157 = arith.cmpi ne, %convert_element_type3A_155, %cond3A_156 : i32
    scf.if %cond3A_157 {
      %mul3A_178 = arith.constant 128 : i32
      %mul3A_179 = arith.muli %add3A_5, %mul3A_178 : i32
      %dma_wait3A_180 = tpu.memref_slice %arg3[%mul3A_179] : memref<320000xi32, #tpu.memory_space<hbm>> -> memref<128xi32, #tpu.memory_space<hbm>>
      %dma_wait3A_181 = tpu.memref_slice %arg3[%mul3A_179] : memref<320000xi32, #tpu.memory_space<hbm>> -> memref<128xi32, #tpu.memory_space<hbm>>
      tpu.wait_dma2 semaphore(%arg26 : memref<!tpu.dma_semaphore, #tpu.memory_space<semaphore_mem>>) src(%dma_wait3A_181 : memref<128xi32, #tpu.memory_space<hbm>>) dst(%arg7 : memref<128xi32, #tpu.memory_space<vmem>>)
      %dma_wait3A_182 = tpu.memref_slice %arg4[%mul3A_179] : memref<320000xi32, #tpu.memory_space<hbm>> -> memref<128xi32, #tpu.memory_space<hbm>>
      %dma_wait3A_183 = tpu.memref_slice %arg4[%mul3A_179] : memref<320000xi32, #tpu.memory_space<hbm>> -> memref<128xi32, #tpu.memory_space<hbm>>
      tpu.wait_dma2 semaphore(%arg26 : memref<!tpu.dma_semaphore, #tpu.memory_space<semaphore_mem>>) src(%dma_wait3A_183 : memref<128xi32, #tpu.memory_space<hbm>>) dst(%arg13 : memref<128xi32, #tpu.memory_space<vmem>>)
      %dma_start3A_184 = arith.constant 0 : i32
      %dma_start3A_185 = arith.constant 0 : i32
      %dma_start3A_186 = tpu.memref_slice %arg2[%dma_start3A_184, %dma_start3A_185] : memref<10000x128xf32, #tpu.memory_space<hbm>> -> memref<10000x128xf32, #tpu.memory_space<hbm>>
      tpu.enqueue_indirect_dma source(%dma_start3A_186 : memref<10000x128xf32, #tpu.memory_space<hbm>>) target(%arg19 : memref<128x128xf32, #tpu.memory_space<vmem>>) offsets(%arg7 : memref<128xi32, #tpu.memory_space<vmem>>) semaphore(%arg23 : memref<!tpu.dma_semaphore, #tpu.memory_space<semaphore_mem>>)
    } else {
    }
    %dma_wait3A_158 = arith.constant 0 : i32
    %dma_wait3A_159 = arith.constant 0 : i32
    %dma_wait3A_160 = tpu.memref_slice %arg2[%dma_wait3A_158, %dma_wait3A_159] : memref<10000x128xf32, #tpu.memory_space<hbm>> -> memref<10000x128xf32, #tpu.memory_space<hbm>>
    tpu.wait_indirect_dma semaphore(%arg24 : memref<!tpu.dma_semaphore, #tpu.memory_space<semaphore_mem>>) src(%dma_wait3A_160 : memref<10000x128xf32, #tpu.memory_space<hbm>>) dst(%arg20 : memref<128x128xf32, #tpu.memory_space<vmem>>)
    "tpu.region"() ({
      %run_scoped3A = tpu.sem_alloc : memref<!tpu.dma_semaphore, #tpu.memory_space<semaphore_mem>>
      %dma_start3A_178 = arith.constant 0 : i32
      %dma_start3A_179 = arith.constant 0 : i32
      %dma_start3A_180 = tpu.memref_slice %arg22[%dma_start3A_178, %dma_start3A_179] : memref<10000x128xf32, #tpu.memory_space<vmem_shared>> -> memref<10000x128xf32, #tpu.memory_space<vmem_shared>>
      tpu.enqueue_indirect_dma source(%arg20 : memref<128x128xf32, #tpu.memory_space<vmem>>) target(%dma_start3A_180 : memref<10000x128xf32, #tpu.memory_space<vmem_shared>>) offsets(%arg17 : memref<128xi32, #tpu.memory_space<vmem>>) semaphore(%run_scoped3A : memref<!tpu.dma_semaphore, #tpu.memory_space<semaphore_mem>>) {add = true}
      %dma_wait3A_181 = arith.constant 0 : i32
      %dma_wait3A_182 = arith.constant 0 : i32
      %dma_wait3A_183 = tpu.memref_slice %arg22[%dma_wait3A_181, %dma_wait3A_182] : memref<10000x128xf32, #tpu.memory_space<vmem_shared>> -> memref<10000x128xf32, #tpu.memory_space<vmem_shared>>
      tpu.wait_indirect_dma semaphore(%run_scoped3A : memref<!tpu.dma_semaphore, #tpu.memory_space<semaphore_mem>>) src(%arg20 : memref<128x128xf32, #tpu.memory_space<vmem>>) dst(%dma_wait3A_183 : memref<10000x128xf32, #tpu.memory_space<vmem_shared>>)
      tpu.yield
    }) : () -> ()
    %dma_wait3A_161 = arith.constant 0 : i32
    %dma_wait3A_162 = arith.constant 0 : i32
    %dma_wait3A_163 = tpu.memref_slice %arg2[%dma_wait3A_161, %dma_wait3A_162] : memref<10000x128xf32, #tpu.memory_space<hbm>> -> memref<10000x128xf32, #tpu.memory_space<hbm>>
    tpu.wait_indirect_dma semaphore(%arg25 : memref<!tpu.dma_semaphore, #tpu.memory_space<semaphore_mem>>) src(%dma_wait3A_163 : memref<10000x128xf32, #tpu.memory_space<hbm>>) dst(%arg21 : memref<128x128xf32, #tpu.memory_space<vmem>>)
    "tpu.region"() ({
      %run_scoped3A = tpu.sem_alloc : memref<!tpu.dma_semaphore, #tpu.memory_space<semaphore_mem>>
      %dma_start3A_178 = arith.constant 0 : i32
      %dma_start3A_179 = arith.constant 0 : i32
      %dma_start3A_180 = tpu.memref_slice %arg22[%dma_start3A_178, %dma_start3A_179] : memref<10000x128xf32, #tpu.memory_space<vmem_shared>> -> memref<10000x128xf32, #tpu.memory_space<vmem_shared>>
      tpu.enqueue_indirect_dma source(%arg21 : memref<128x128xf32, #tpu.memory_space<vmem>>) target(%dma_start3A_180 : memref<10000x128xf32, #tpu.memory_space<vmem_shared>>) offsets(%arg18 : memref<128xi32, #tpu.memory_space<vmem>>) semaphore(%run_scoped3A : memref<!tpu.dma_semaphore, #tpu.memory_space<semaphore_mem>>) {add = true}
      %dma_wait3A_181 = arith.constant 0 : i32
      %dma_wait3A_182 = arith.constant 0 : i32
      %dma_wait3A_183 = tpu.memref_slice %arg22[%dma_wait3A_181, %dma_wait3A_182] : memref<10000x128xf32, #tpu.memory_space<vmem_shared>> -> memref<10000x128xf32, #tpu.memory_space<vmem_shared>>
      tpu.wait_indirect_dma semaphore(%run_scoped3A : memref<!tpu.dma_semaphore, #tpu.memory_space<semaphore_mem>>) src(%arg21 : memref<128x128xf32, #tpu.memory_space<vmem>>) dst(%dma_wait3A_183 : memref<10000x128xf32, #tpu.memory_space<vmem_shared>>)
      tpu.yield
    }) : () -> ()
    %convert_element_type3A_164 = arith.extui %lt3A_3 : i1 to i32
    %cond3A_165 = arith.constant 0 : i32
    %cond3A_166 = arith.cmpi ne, %convert_element_type3A_164, %cond3A_165 : i32
    scf.if %cond3A_166 {
      %dma_wait3A_178 = arith.constant 0 : i32
      %dma_wait3A_179 = arith.constant 0 : i32
      %dma_wait3A_180 = tpu.memref_slice %arg2[%dma_wait3A_178, %dma_wait3A_179] : memref<10000x128xf32, #tpu.memory_space<hbm>> -> memref<10000x128xf32, #tpu.memory_space<hbm>>
      tpu.wait_indirect_dma semaphore(%arg23 : memref<!tpu.dma_semaphore, #tpu.memory_space<semaphore_mem>>) src(%dma_wait3A_180 : memref<10000x128xf32, #tpu.memory_space<hbm>>) dst(%arg19 : memref<128x128xf32, #tpu.memory_space<vmem>>)
      "tpu.region"() ({
        %run_scoped3A = tpu.sem_alloc : memref<!tpu.dma_semaphore, #tpu.memory_space<semaphore_mem>>
        %dma_start3A_181 = arith.constant 0 : i32
        %dma_start3A_182 = arith.constant 0 : i32
        %dma_start3A_183 = tpu.memref_slice %arg22[%dma_start3A_181, %dma_start3A_182] : memref<10000x128xf32, #tpu.memory_space<vmem_shared>> -> memref<10000x128xf32, #tpu.memory_space<vmem_shared>>
        tpu.enqueue_indirect_dma source(%arg19 : memref<128x128xf32, #tpu.memory_space<vmem>>) target(%dma_start3A_183 : memref<10000x128xf32, #tpu.memory_space<vmem_shared>>) offsets(%arg13 : memref<128xi32, #tpu.memory_space<vmem>>) semaphore(%run_scoped3A : memref<!tpu.dma_semaphore, #tpu.memory_space<semaphore_mem>>) {add = true}
        %dma_wait3A_184 = arith.constant 0 : i32
        %dma_wait3A_185 = arith.constant 0 : i32
        %dma_wait3A_186 = tpu.memref_slice %arg22[%dma_wait3A_184, %dma_wait3A_185] : memref<10000x128xf32, #tpu.memory_space<vmem_shared>> -> memref<10000x128xf32, #tpu.memory_space<vmem_shared>>
        tpu.wait_indirect_dma semaphore(%run_scoped3A : memref<!tpu.dma_semaphore, #tpu.memory_space<semaphore_mem>>) src(%arg19 : memref<128x128xf32, #tpu.memory_space<vmem>>) dst(%dma_wait3A_186 : memref<10000x128xf32, #tpu.memory_space<vmem_shared>>)
        tpu.yield
      }) : () -> ()
    } else {
    }
    %barrier3A_167 = arith.constant 0 : index
    tpu.barrier barrier_id(%barrier3A_167)
    %lt3A_168 = arith.constant 15 : i32
    %lt3A_169 = arith.cmpi slt, %arg1, %lt3A_168 : i32
    %convert_element_type3A_170 = arith.extui %lt3A_169 : i1 to i32
    %cond3A_171 = arith.constant 0 : i32
    %cond3A_172 = arith.cmpi ne, %convert_element_type3A_170, %cond3A_171 : i32
    scf.if %cond3A_172 {
      %mul3A_178 = arith.constant 632 : i32
      %mul3A_179 = arith.muli %arg1, %mul3A_178 : i32
      %mul3A_180 = arith.constant 632 : i32
      %mul3A_181 = arith.muli %arg1, %mul3A_180 : i32
      "tpu.region"() ({
        %run_scoped3A = tpu.sem_alloc : memref<!tpu.dma_semaphore, #tpu.memory_space<semaphore_mem>>
        %dma_start3A_182 = arith.constant 0 : i32
        %dma_start3A_183 = tpu.memref_slice %arg6[%arg0, %mul3A_181, %dma_start3A_182] : memref<2x10000x128xf32, #tpu.memory_space<hbm>> -> memref<1x632x128xf32, #tpu.memory_space<hbm>>
        %dma_start3A_184 = tpu.memref_squeeze %dma_start3A_183 : memref<1x632x128xf32, #tpu.memory_space<hbm>> -> memref<632x128xf32, #tpu.memory_space<hbm>>
        %dma_start3A_185 = arith.constant 0 : i32
        %dma_start3A_186 = tpu.memref_slice %arg22[%mul3A_179, %dma_start3A_185] : memref<10000x128xf32, #tpu.memory_space<vmem_shared>> -> memref<632x128xf32, #tpu.memory_space<vmem_shared>>
        tpu.enqueue_dma source(%dma_start3A_186 : memref<632x128xf32, #tpu.memory_space<vmem_shared>>) target(%dma_start3A_184 : memref<632x128xf32, #tpu.memory_space<hbm>>) target_semaphore(%run_scoped3A : memref<!tpu.dma_semaphore, #tpu.memory_space<semaphore_mem>>)
        %dma_wait3A_187 = arith.constant 0 : i32
        %dma_wait3A_188 = tpu.memref_slice %arg6[%arg0, %mul3A_181, %dma_wait3A_187] : memref<2x10000x128xf32, #tpu.memory_space<hbm>> -> memref<1x632x128xf32, #tpu.memory_space<hbm>>
        %dma_wait3A_189 = tpu.memref_squeeze %dma_wait3A_188 : memref<1x632x128xf32, #tpu.memory_space<hbm>> -> memref<632x128xf32, #tpu.memory_space<hbm>>
        %dma_wait3A_190 = arith.constant 0 : i32
        %dma_wait3A_191 = tpu.memref_slice %arg22[%mul3A_179, %dma_wait3A_190] : memref<10000x128xf32, #tpu.memory_space<vmem_shared>> -> memref<632x128xf32, #tpu.memory_space<vmem_shared>>
        tpu.wait_dma2 semaphore(%run_scoped3A : memref<!tpu.dma_semaphore, #tpu.memory_space<semaphore_mem>>) src(%dma_wait3A_191 : memref<632x128xf32, #tpu.memory_space<vmem_shared>>) dst(%dma_wait3A_189 : memref<632x128xf32, #tpu.memory_space<hbm>>)
        tpu.yield
      }) : () -> ()
    } else {
    }
    %eq3A_173 = arith.constant 15 : i32
    %eq3A_174 = arith.cmpi eq, %arg1, %eq3A_173 : i32
    %convert_element_type3A_175 = arith.extui %eq3A_174 : i1 to i32
    %cond3A_176 = arith.constant 0 : i32
    %cond3A_177 = arith.cmpi ne, %convert_element_type3A_175, %cond3A_176 : i32
    scf.if %cond3A_177 {
      "tpu.region"() ({
        %run_scoped3A = tpu.sem_alloc : memref<!tpu.dma_semaphore, #tpu.memory_space<semaphore_mem>>
        %dma_start3A_178 = arith.constant 9480 : i32
        %dma_start3A_179 = arith.constant 0 : i32
        %dma_start3A_180 = tpu.memref_slice %arg6[%arg0, %dma_start3A_178, %dma_start3A_179] : memref<2x10000x128xf32, #tpu.memory_space<hbm>> -> memref<1x520x128xf32, #tpu.memory_space<hbm>>
        %dma_start3A_181 = tpu.memref_squeeze %dma_start3A_180 : memref<1x520x128xf32, #tpu.memory_space<hbm>> -> memref<520x128xf32, #tpu.memory_space<hbm>>
        %dma_start3A_182 = arith.constant 9480 : i32
        %dma_start3A_183 = arith.constant 0 : i32
        %dma_start3A_184 = tpu.memref_slice %arg22[%dma_start3A_182, %dma_start3A_183] : memref<10000x128xf32, #tpu.memory_space<vmem_shared>> -> memref<520x128xf32, #tpu.memory_space<vmem_shared>>
        tpu.enqueue_dma source(%dma_start3A_184 : memref<520x128xf32, #tpu.memory_space<vmem_shared>>) target(%dma_start3A_181 : memref<520x128xf32, #tpu.memory_space<hbm>>) target_semaphore(%run_scoped3A : memref<!tpu.dma_semaphore, #tpu.memory_space<semaphore_mem>>)
        %dma_wait3A_185 = arith.constant 9480 : i32
        %dma_wait3A_186 = arith.constant 0 : i32
        %dma_wait3A_187 = tpu.memref_slice %arg6[%arg0, %dma_wait3A_185, %dma_wait3A_186] : memref<2x10000x128xf32, #tpu.memory_space<hbm>> -> memref<1x520x128xf32, #tpu.memory_space<hbm>>
        %dma_wait3A_188 = tpu.memref_squeeze %dma_wait3A_187 : memref<1x520x128xf32, #tpu.memory_space<hbm>> -> memref<520x128xf32, #tpu.memory_space<hbm>>
        %dma_wait3A_189 = arith.constant 9480 : i32
        %dma_wait3A_190 = arith.constant 0 : i32
        %dma_wait3A_191 = tpu.memref_slice %arg22[%dma_wait3A_189, %dma_wait3A_190] : memref<10000x128xf32, #tpu.memory_space<vmem_shared>> -> memref<520x128xf32, #tpu.memory_space<vmem_shared>>
        tpu.wait_dma2 semaphore(%run_scoped3A : memref<!tpu.dma_semaphore, #tpu.memory_space<semaphore_mem>>) src(%dma_wait3A_191 : memref<520x128xf32, #tpu.memory_space<vmem_shared>>) dst(%dma_wait3A_188 : memref<520x128xf32, #tpu.memory_space<hbm>>)
        tpu.yield
      }) : () -> ()
    } else {
    }
    return
  }
}

module attributes {stable_mosaic.version = 14 : i64} {
  func.func @_combine_body(%arg0: i32, %arg1: memref<1x1000x128xf32, #tpu.memory_space<vmem>>, %arg2: memref<1x1000x128xf32, #tpu.memory_space<vmem>>, %arg3: memref<1000x128xf32, #tpu.memory_space<vmem>>) attributes {dimension_semantics = [#tpu.dimension_semantics<arbitrary>], iteration_bounds = array<i64: 10>, scalar_prefetch = 0 : i64, scratch_operands = 0 : i64, tpu.core_type = #tpu.core_type<tc>, window_params = [{transform_indices = @transform_0, window_bounds = array<i64: 1, 1000, 128>}, {transform_indices = @transform_1, window_bounds = array<i64: 1, 1000, 128>}, {transform_indices = @transform_2, window_bounds = array<i64: 1000, 128>}]} {
    %get3A = arith.constant 0 : index
    %get3A_0 = arith.constant 0 : index
    %get3A_1 = arith.constant 0 : index
    %get3A_2 = vector.load %arg1[%get3A, %get3A_0, %get3A_1] : memref<1x1000x128xf32, #tpu.memory_space<vmem>>, vector<1x1000x128xf32>
    %get3A_3 = vector.shape_cast %get3A_2 : vector<1x1000x128xf32> to vector<1000x128xf32>
    %get3A_4 = arith.constant 0 : index
    %get3A_5 = arith.constant 0 : index
    %get3A_6 = arith.constant 0 : index
    %get3A_7 = vector.load %arg2[%get3A_4, %get3A_5, %get3A_6] : memref<1x1000x128xf32, #tpu.memory_space<vmem>>, vector<1x1000x128xf32>
    %get3A_8 = vector.shape_cast %get3A_7 : vector<1x1000x128xf32> to vector<1000x128xf32>
    %add3A = arith.addf %get3A_3, %get3A_8 : vector<1000x128xf32>
    %swap3A = arith.constant 0 : index
    %swap3A_9 = arith.constant 0 : index
    %swap3A_10 = vector.load %arg3[%swap3A, %swap3A_9] : memref<1000x128xf32, #tpu.memory_space<vmem>>, vector<1000x128xf32>
    tpu.vector_store %arg3[%swap3A, %swap3A_9], %add3A {strides = array<i32>} : memref<1000x128xf32, #tpu.memory_space<vmem>>, vector<1000x128xf32>,
    return
  }
  func.func @transform_0(%arg0: i32) -> (i32, i32, i32) {
    %c0_i32 = arith.constant 0 : i32
    %c0_i32_0 = arith.constant 0 : i32
    %c0_i32_1 = arith.constant 0 : i32
    return %c0_i32, %arg0, %c0_i32_0 : i32, i32, i32
  }
  func.func @transform_1(%arg0: i32) -> (i32, i32, i32) {
    %c1_i32 = arith.constant 1 : i32
    %c0_i32 = arith.constant 0 : i32
    %c0_i32_0 = arith.constant 0 : i32
    return %c1_i32, %arg0, %c0_i32 : i32, i32, i32
  }
  func.func @transform_2(%arg0: i32) -> (i32, i32) {
    %c0_i32 = arith.constant 0 : i32
    %c0_i32_0 = arith.constant 0 : i32
    return %arg0, %c0_i32 : i32, i32
  }
}

</mosaic_0001>

<sc_bundles>
// kernel: kernel.4.cloned.1.call-start
scs
__scs_entry_jumppad:
0x0: {  	(pc) =	sbr.rel $0x88, $3  }
0x1: {  	(tag) =	ssettag $0x0;
	lr =	simm.s32 $0x1  }
0x2: {  	[smem:$0x3F9F] =	sst lr;
	_ =	strace $0xD0000000  }
0x3: {  	_ = 	snop  }
0x4: {  	_ = 	snop  }
0x5: {  	_ = 	snop  }
0x6: {  	_ = 	snop  }
0x7: {  	_ = 	snop  }
__scs_overlays_trampoline_lowered:
0x8: {  	[smem:$0x3FAE] =	sst s0  }
0x9: {  	[smem:$0x3FAF] =	sst s1  }
0xa: {  	[smem:$0x3FB0] =	sst s2  }
0xb: {  	[smem:$0x3FB1] =	sst s3  }
0xc: {  	[smem:$0x3FB2] =	sst s4  }
0xd: {  	[smem:$0x3FB3] =	sst s5  }
0xe: {  	[smem:$0x3FB4] =	sst s6  }
0xf: {  	[smem:$0x3FB5] =	sst s7  }
0x10: {  	[smem:$0x3FB6] =	sst s8  }
0x11: {  	[smem:$0x3FB7] =	sst s9;
	s0 =	simm.s32 @!p0 $0x0  }
0x12: {  	s1 =	sld [smem:$0x3F9D];
	s0 =	simm.s32 @p0 $0x1  }
0x13: {  	[smem:$0x3FB8] =	sst s0;
	s0 =	simm.s32 @!p1 $0x0  }
0x14: {  	s2 =	sld [smem:$0x3F9C];
	s0 =	simm.s32 @p1 $0x1  }
0x15: {  	[smem:$0x3FB9] =	sst s0;
	s0 =	simm.s32 @!p2 $0x0  }
0x16: {  	s3 =	sld [smem:$0x3FDB];
	s0 =	simm.s32 @p2 $0x1  }
0x17: {  	s4 =	simm.s32 $0x1BF5;
	[smem:$0x3FBB] =	sst s0  }
0x18: {  	s0 =	sld [smem:$0x3F9E];
	_ =	swait.ge [sflag:s4], $0x0  }
0x19: {  	s7 =	sld [smem:$0x3F9F]  }
0x1a: {  	s8 =	sadd.s32 $0xFFFFE003, lr  }
0x1b: {  	s9 =	sadd.s32 $0xFFFFFEF7, lr;
	s5 =	simm.s32 $0xFFFFFFFF;
	p2 =	slt.u32 s8, $0xFFFFF086  }
0x1c: {  	p1 =	slt.u32 s9, $0xF7A;
	s5 =	simm.s32 @!p2 $0x0  }
0x1d: {  	s5 =	simm.s32 @p1 $0x1;
	p0 =	seq.s32 s7, s2  }
0x1e: {  	s7 =	smul.u32 @!p0 $0xF7A, s2;
	p2 =	seq.s32 @!p0 s5, $0x0  }
0x1f: {  	s9 =	smul.u32 $0xF7A, s1;
	s8 =	simm.s32 @!p0 $0x1BF5;
	p2 =	por !p2, p0  }
0x20: {  	[sflag:s8] =	ssyncset.s32 @!p0 $0xFFFFF086;
	s6 =	sadd.s32 @!p0 s3, s7;
	s7 =	simm.s32 @!p0 $0x108  }
0x21: {  	s3 =	sadd.s32 s3, s9;
	s6 =	sadd.s32 @!p0 $0x88, s6;
	s7 =	simm.s32 @p2 $0x1082  }
0x22: {  	[simem:s7], [sflag:s8] =	dma.local @!p0 [hbm:s6], $0xF7A  }
0x23: {  	s9 =	sor.u32 $0xD0000000, s2;
	s6 =	simm.s32 $0x108;
	_ =	swait.ge @!p0 [sflag:s8], $0x0  }
0x24: {  	s3 =	sadd.s32 $0x88, s3;
	s6 =	simm.s32 @!p1 $0x1082;
	[sflag:s4] =	ssyncset.s32 $0xFFFFF086  }
0x25: {  	[simem:s6], [sflag:s4] =	dma.local [hbm:s3], $0xF7A  }
0x26: {  	[smem:$0x3F9F] =	sst s1;
	(tag) =	ssettag s2;
	_ =	strace s9  }
0x27: {  	s1 =	sld [smem:$0x3FAF]  }
0x28: {  	s2 =	sld [smem:$0x3FB0]  }
0x29: {  	s4 =	sld [smem:$0x3FB2]  }
0x2a: {  	p0 =	seq.s32 s5, $0x0;
	s5 =	sld [smem:$0x3FB3]  }
0x2b: {  	s6 =	sld [smem:$0x3FB4]  }
0x2c: {  	s7 =	sld [smem:$0x3FB5]  }
0x2d: {  	s3 =	simm.s32 $0x108;
	s8 =	sld [smem:$0x3FB6]  }
0x2e: {  	s3 =	simm.s32 @!p0 $0x1082;
	s9 =	sld [smem:$0x3FB7]  }
0x2f: {  	lr =	sadd.s32 s0, s3;
	s0 =	sld [smem:$0x3FAE]  }
0x30: {  	s3 =	sld [smem:$0x3FB1]  }
0x31: {  	[smem:$0x3FBA] =	sst s10  }
0x32: {  	s10 =	sld [smem:$0x3FB8];
	_ =	sdelay $0x3  }
0x33: {  	p0 =	seq.s32 s10, $0x1;
	s10 =	sld [smem:$0x3FBA];
	_ =	sdelay $0x3  }
0x34: {  	[smem:$0x3FBA] =	sst s10  }
0x35: {  	s10 =	sld [smem:$0x3FB9];
	_ =	sdelay $0x3  }
0x36: {  	p1 =	seq.s32 s10, $0x1;
	s10 =	sld [smem:$0x3FBA];
	_ =	sdelay $0x3  }
0x37: {  	[smem:$0x3FBA] =	sst s10  }
0x38: {  	s10 =	sld [smem:$0x3FBB]  }
0x39: {  	_ = 	snop;
	(pc) =	sbr.ind lr, $3  }
0x3a: {  	_ = 	snop  }
0x3b: {  	_ = 	snop  }
0x3c: {  	p2 =	seq.s32 s10, $0x1;
	s10 =	sld [smem:$0x3FBA]  }
0x3d: {  	_ =	shalt  }
0x3e: {  	_ =	shalt  }
0x3f: {  	_ =	shalt  }
0x40: {  	_ =	shalt  }
0x41: {  	_ =	shalt  }
0x42: {  	_ =	shalt  }
0x43: {  	_ =	shalt  }
0x44: {  	_ =	shalt  }
0x45: {  	_ =	shalt  }
0x46: {  	_ =	shalt  }
0x47: {  	_ =	shalt  }
0x48: {  	_ =	shalt  }
0x49: {  	_ =	shalt  }
0x4a: {  	_ =	shalt  }
0x4b: {  	_ =	shalt  }
0x4c: {  	_ =	shalt  }
0x4d: {  	_ =	shalt  }
0x4e: {  	_ =	shalt  }
0x4f: {  	_ =	shalt  }
0x50: {  	_ =	shalt  }
0x51: {  	_ =	shalt  }
0x52: {  	_ =	shalt  }
0x53: {  	_ =	shalt  }
0x54: {  	_ =	shalt  }
0x55: {  	_ =	shalt  }
0x56: {  	_ =	shalt  }
0x57: {  	_ =	shalt  }
0x58: {  	_ =	shalt  }
0x59: {  	_ =	shalt  }
0x5a: {  	_ =	shalt  }
0x5b: {  	_ =	shalt  }
0x5c: {  	_ =	shalt  }
0x5d: {  	_ =	shalt  }
0x5e: {  	_ =	shalt  }
0x5f: {  	_ =	shalt  }
0x60: {  	_ =	shalt  }
0x61: {  	_ =	shalt  }
0x62: {  	_ =	shalt  }
0x63: {  	_ =	shalt  }
0x64: {  	_ =	shalt  }
0x65: {  	_ =	shalt  }
0x66: {  	_ =	shalt  }
0x67: {  	_ =	shalt  }
0x68: {  	_ =	shalt  }
0x69: {  	_ =	shalt  }
0x6a: {  	_ =	shalt  }
0x6b: {  	_ =	shalt  }
0x6c: {  	_ =	shalt  }
0x6d: {  	_ =	shalt  }
0x6e: {  	_ =	shalt  }
0x6f: {  	_ =	shalt  }
0x70: {  	_ =	shalt  }
0x71: {  	_ =	shalt  }
0x72: {  	_ =	shalt  }
0x73: {  	_ =	shalt  }
0x74: {  	_ =	shalt  }
0x75: {  	_ =	shalt  }
0x76: {  	_ =	shalt  }
0x77: {  	_ =	shalt  }
0x78: {  	_ =	shalt  }
0x79: {  	_ =	shalt  }
0x7a: {  	_ =	shalt  }
0x7b: {  	_ =	shalt  }
0x7c: {  	_ =	shalt  }
0x7d: {  	_ =	shalt  }
0x7e: {  	_ =	shalt  }
0x7f: {  	_ =	shalt  }
0x80: {  	_ =	shalt  }
0x81: {  	_ =	shalt  }
0x82: {  	_ =	shalt  }
0x83: {  	_ =	shalt  }
0x84: {  	_ =	shalt  }
0x85: {  	_ =	shalt  }
0x86: {  	_ =	shalt  }
0x87: {  	_ =	shalt  }
.Lfunc_end0:
.L_simem_size_0:
called_computation_lowered:
.L_overlay_start_0:
0x88: {  	s2 =	sld [smem:$0x3FD9]  }
0x89: {  	s3 =	sld [smem:$0x3FFE];
	_ =	sdelay $0x1  }
0x8a: {  	s1 =	srdreg.scid  }
0x8b: {  	s0 =	sand.u32 $0x1, s1  }
0x8c: {  	s17 =	sshll.u32 s0, $0xA;
	s2 =	sadd.s32 s3, s2  }
0x8d: {  	s2 =	sadd.s32 s2, s17  }
0x8e: {  	[smem:$0x3FC6] =	sst s2  }
0x8f: {  	_ = 	snop  }
0x90: {  	s2 =	sld [smem:$0x3FC9]  }
0x91: {  	s18 =	sld [smem:$0x3FD0];
	(tm) =	ssettm $0x1  }
0x92: {  	s4 =	sld [smem:$0x3FFB];
	_ =	sdelay $0x3  }
0x93: {  	_ =	strace s4  }
0x94: {  	s4 =	sld [smem:$0x3FFC];
	_ =	sdelay $0x3  }
0x95: {  	_ =	strace s4  }
0x96: {  	s4 =	sld [smem:$0x3FFD];
	_ =	sdelay $0x3  }
0x97: {  	_ =	strace s4  }
0x98: {  	_ =	strace $0x8FFFFFFF  }
0x99: {  	s19 =	sld [smem:$0x3FDB];
	_ =	sdelay $0x1  }
0x9a: {  	s5 =	simm.s32 $_scs_section_size  }
0x9b: {  	s6 =	simm.s32 $_size__tile_overlayer_lowered;
	s7 =	simm.s32 $_tile_overlayer_lowered  }
0x9c: {  	s22 =	simm.s32 $0x1BFF;
	s21 =	sshll.u32 s7, $0x1;
	s4 =	sadd.s32 s5, s19  }
0x9d: {  	s8 =	simm.s32 $0x0;
	s20 =	sshll.u32 s6, $0x1;
	s6 =	sadd.s32 s21, s4  }
0x9e: {  	[timem:s8], [sflag:s22] =	dma.local [hbm:s6], s20  }
0x9f: {  	_ =	swait.ge [sflag:s22], s20  }
0xa0: {  	s5 =	ssub.s32 $0x0, s20;
	[sflag:s22] =	ssyncset.done $0x0  }
0xa1: {  	[sflag:s22] =	ssyncadd.s32 s5;
	_ =	sdelay $0x1  }
0xa2: {  	s23 =	simm.s32 $0x1B8B  }
0xa3: {  	_ =	swait.ge [sflag:s23], $0x1  }
0xa4: {  	[sflag:s23] =	ssyncset.done $0x0  }
0xa5: {  	s25 =	simm.s32 $0x1B8E;
	s24 =	sld [smem:$0x3FFE];
	[sflag:s23] =	ssyncadd.s32 $0xFFFFFFFF  }
0xa6: {  	s26 =	simm.s32 $execute0_lowered;
	[smem:$0x3FD2] =	sst s25  }
0xa7: {  	s6 =	sshll.u32 s26, $0x1;
	_ =	strace $0x80000046;
	[dreg:$0x1] =	wrdreg $0xFFFFFFFF  }
0xa8: {  	s28 =	simm.s32 $_size_execute0_lowered;
	s4 =	sadd.s32 s4, s6;
	[dreg:$0x0] =	wrdreg $0x0  }
0xa9: {  	s6 =	sshll.u32 s28, $0x1;
	[dreg:$0x2] =	wrdreg s4  }
0xaa: {  	[dreg:$0x3] =	wrdreg s6  }
0xab: {  	[dreg:$0x4] =	wrdreg $0xC0  }
0xac: {  	_ =	task [dreg:s8], $0x5FFFF  }
0xad: {  	[dreg:$0x1] =	wrdreg $0xFFFFFFFF  }
0xae: {  	[dreg:$0x0] =	wrdreg $0x60  }
0xaf: {  	[dreg:$0x2] =	wrdreg s2  }
0xb0: {  	[dreg:$0x3] =	wrdreg s24  }
0xb1: {  	[dreg:$0x4] =	wrdreg s18  }
0xb2: {  	[dreg:$0x5] =	wrdreg $0xC6000  }
0xb3: {  	[dreg:$0x6] =	wrdreg $0x9  }
0xb4: {  	_ =	task.clear_ibuf [dreg:s8], $0x7FFFF;
	_ =	strace $0x90000046  }
0xb5: {  	s29 =	simm.s32 $0x9;
	_ =	strace $0x80000048  }
0xb6: {  	_ =	swait.ge [sflag:s29], $0x1  }
0xb7: {  	[sflag:s29] =	ssyncadd.s32 $0xFFFFFFFF  }
0xb8: {  	_ =	strace $0x90000048  }
0xb9: {  	_ =	sfence  }
0xba: {  	s30 =	sld [smem:$0x0];
	_ =	sdelay $0x2  }
0xbb: {  	s31 =	sshll.u32 s1, $0xD;
	s1 =	sshrl.u32 s1, $0x2  }
0xbc: {  	s3 =	sand.u32 $0x4000, s31;
	s1 =	sadd.s32 s1, s30  }
0xbd: {  	s0 =	sor.u32 s3, s0;
	s1 =	sshll.u32 s1, $0x11  }
0xbe: {  	s0 =	sor.u32 s1, s0  }
0xbf: {  	s0 =	sadd.s32 $0x8F2B, s0  }
0xc0: {  	[sflag:s0] =	ssyncadd.remote.s32 $0x1  }
0xc1: {  	_ =	sfence.sel $0xFFFF  }
0xc2: {  	[dreg:$0x0] =	wrdreg $0xFFFFFFFF;
	(pc) =	sbr.abs _section_cstart, $3  }
0xc3: {  	[dreg:$0x1] =	wrdreg $0xFFFFFFFF  }
0xc4: {  	_ =	task.clear_ibuf [dreg:s8], $0x2FFFF;
	_ =	strace $0x9FFFFFFF  }
0xc5: {  	(tm) =	ssettm $0x7FFFFFFF  }
tec
execute0_lowered:
.L_overlay_start_1:
0x0: {  	(tag) =	ssettag $0x1  }
0x1: {  	s0 =	rddreg [dreg:$0x1]  }
0x2: {  	s2 =	rddreg [dreg:$0x2]  }
0x3: {  	s3 =	rddreg [dreg:$0x3]  }
0x4: {  	s4 =	simm.s32 $0x0;
	s5 =	srdreg.scid;
	s16 =	stileid.u32  }
0x5: {  	s31 =	simm.s32 $0x80;
	s28 =	simm.s32 $0x2;
	s29 =	simm.s32 $0x8  }
0x6: {  	[smem:$0x7FF] =	sst s4;
	s6 =	sand.u32 $0x1, s5;
	s9 =	smul.u32 $0x4F000, s16  }
0x7: {  	s21 =	sshll.u32 s16, $0x1;
	s11 =	sadd.s32 $0xC600, s0;
	s24 =	smul.u32 $0x9C, s16  }
0x8: {  	p0 =	seq.s32 s16, $0xF;
	s8 =	sor.u32 s6, s21;
	s25 =	smul.u32 $0x4E, s6  }
0x9: {  	p1 =	sgt.u32 s16, $0x1;
	s7 =	ssub.s32 $0x2, s6;
	s10 =	smul.u32 $0x4E0, s8  }
0xa: {  	_ =	strace $0x80000047;
	s6 =	smul.u32 $0x138800, s6;
	s22 =	sshrl.u32 s7, $0x1  }
0xb: {  	s23 =	smul.u32 $0x2700, s8;
	s5 =	ssub.s32 s7, s22;
	s12 =	sadd.s32 s0, s10  }
0xc: {  	s15 =	sshrl.u32 s6, $0x3;
	s13 =	sadd.s32 s2, s10;
	[dreg:$0x11] =	wrdreg s12  }
0xd: {  	s10 =	sor.u32 $0x10, s10;
	s7 =	sshrl.u32 s23, $0x3;
	[dreg:$0x12] =	wrdreg s13  }
0xe: {  	s14 =	sadd.s32 s0, s10;
	s10 =	sadd.s32 s2, s10;
	s26 =	sadd.s32 $0x20, s7  }
0xf: {  	s12 =	sadd.s32 s25, s24;
	s25 =	sadd.s32 $0x30, s7;
	[dreg:$0x13] =	wrdreg s14  }
0x10: {  	[dreg:$0x14] =	wrdreg s10;
	s1 =	sadd.s32 s0, s26;
	s14 =	smul.u32 $0x13C00, s16  }
0x11: {  	s12 =	sshll.u32 s12, $0x4;
	s10 =	sadd.s32 s2, s26;
	[dreg:$0x15] =	wrdreg s1  }
0x12: {  	[dreg:$0x16] =	wrdreg s10;
	s17 =	sadd.s32 $0xA0, s12;
	s1 =	sadd.s32 s0, s25  }
0x13: {  	s10 =	sadd.s32 s11, s15;
	s18 =	sadd.s32 s17, s0;
	[dreg:$0x18] =	wrdreg s1  }
0x14: {  	s20 =	sadd.s32 $0x80, s12;
	s19 =	sadd.s32 s17, s2;
	[dreg:$0x5] =	wrdreg s18  }
0x15: {  	s6 =	sadd.s32 s14, s6;
	s14 =	sadd.s32 s20, s2;
	[dreg:$0x6] =	wrdreg s19  }
0x16: {  	s17 =	sadd.s32 $0x60, s12;
	s15 =	sadd.s32 $0x10, s14;
	[dreg:$0xe] =	wrdreg s14  }
0x17: {  	s9 =	sshrl.u32 s9, $0x2;
	s26 =	sadd.s32 s17, s0;
	[dreg:$0x8] =	wrdreg s15  }
0x18: {  	s8 =	sshll.u32 s8, $0x4;
	s18 =	sadd.s32 s20, s0;
	[dreg:$0xd] =	wrdreg s26  }
0x19: {  	s16 =	simm.s32 $0x300;
	s30 =	sadd.s32 s17, s2;
	[dreg:$0xf] =	wrdreg s18  }
0x1a: {  	s12 =	sadd.s32 $0x40, s12;
	s21 =	sadd.s32 $0x10, s18;
	[dreg:$0x10] =	wrdreg s30  }
0x1b: {  	s6 =	sshrl.u32 s6, $0x3;
	s22 =	sadd.s32 $0x10, s26;
	[dreg:$0x7] =	wrdreg s21  }
0x1c: {  	s1 =	simm.s32 $0x8600;
	s6 =	sadd.s32 s11, s6;
	[dreg:$0x9] =	wrdreg s22  }
0x1d: {  	s24 =	sadd.s32 s12, s0;
	s23 =	sadd.s32 $0x10, s30;
	[dreg:$0x17] =	wrdreg s6  }
0x1e: {  	s12 =	sadd.s32 s12, s2;
	s11 =	sadd.s32 s2, s25;
	[dreg:$0xa] =	wrdreg s23  }
0x1f: {  	s19 =	sor.u32 $0x9C00, s8;
	s13 =	sadd.s32 $0x10, s12;
	[dreg:$0x19] =	wrdreg s11  }
0x20: {  	s8 =	simm.s32 $0x4;
	s25 =	sadd.s32 $0x128400, s3;
	[dreg:$0xc] =	wrdreg s13  }
0x21: {  	s15 =	sadd.s32 $0x40, s7;
	s6 =	sadd.s32 $0x10, s24;
	[smem:$0x7FD] =	sst s25  }
0x22: {  	s7 =	sadd.s32 $0x4D0, s7;
	s17 =	sadd.s32 s0, s15;
	[dreg:$0xb] =	wrdreg s6  }
0x23: {  	s20 =	sadd.s32 s0, s7;
	s7 =	sadd.s32 s2, s7;
	[dreg:$0x1a] =	wrdreg s17  }
0x24: {  	s21 =	sadd.s32 s0, s19;
	s0 =	sadd.s32 $0x9E00, s0;
	[dreg:$0x1c] =	wrdreg s20  }
0x25: {  	s22 =	sadd.s32 s9, s3;
	s23 =	sadd.s32 $0x25080, s10;
	[dreg:$0x1d] =	wrdreg s7  }
0x26: {  	s24 =	smax.u32 s5, $0x1;
	s9 =	simm.s32 $0x600;
	[dreg:$0x1f] =	wrdreg s21  }
0x27: {  	s10 =	simm.s32 $0x5;
	s13 =	simm.s32 $0x4600;
	[smem:$0x7F9] =	sst s0  }
0x28: {  	s25 =	simm.s32 $0x3;
	s11 =	simm.s32 $0x0;
	[smem:$0x7FA] =	sst s22  }
0x29: {  	s6 =	sadd.s32 s2, s15;
	s2 =	sadd.s32 s2, s19;
	[smem:$0x7FB] =	sst s23  }
.Ltmp0:
0x2a: {  	[smem:$0x7FC] =	sst s24;
	s7 =	simm.s32 $0x400;
	(pc) =	sbr.rel .LBB2_1-.Ltmp0, $4  }
0x2b: {  	s15 =	simm.s32 $0x180;
	s21 =	simm.s32 $0x480;
	s22 =	simm.s32 $0x200  }
0x2c: {  	s17 =	simm.s32 $0x6;
	s19 =	simm.s32 $0x1;
	s20 =	simm.s32 $0xB  }
0x2d: {  	s23 =	simm.s32 $0x7;
	s24 =	simm.s32 $0x9;
	[dreg:$0x1b] =	wrdreg s6  }
0x2e: {  	[dreg:$0x1e] =	wrdreg s2;
	s2 =	simm.s32 $0x380;
	s6 =	simm.s32 $0x100  }
.LBB2_7:
0x2f: {  	s11 =	sld [smem:$0x7FD]  }
0x30: {  	s12 =	sld [smem:$0x7FB];
	_ =	sdelay $0x1  }
0x31: {  	s22 =	simm.s32 $0x1FCB;
	s11 =	sshrl.u32 s11, $0x3  }
0x32: {  	[hbm:s12], [sflag:s22] =	dma.local [spmem:s11], $0x2080  }
0x33: {  	_ =	swait.ge [sflag:s20], $0x2080  }
0x34: {  	[sflag:s20] =	ssyncset.done $0x0;
	s14 =	rddreg [dreg:$0xe]  }
0x35: {  	s22 =	simm.s32 $0x200;
	s11 =	sld [smem:$0x7F8];
	[sflag:s20] =	ssyncadd.s32 $0xFFFFDF80  }
.LBB2_8:
0x36: {  	s0 =	sld [smem:$0x7FC];
	_ =	sdelay $0x1  }
0x37: {  	s11 =	sadd.s32 $0x1, s11  }
0x38: {  	p2 =	sne.s32 s11, s0  }
.Ltmp1:
0x39: {  	_ = 	snop;
	(pc) =	sbr.rel @!p2 .LBB2_9-.Ltmp1, $2  }
0x3a: {  	_ =	sdelay $0x2  }
0x3b: {  	s26 =	rddreg [dreg:$0xd]  }
.LBB2_1:
0x3c: {  	s0 =	sld [smem:$0x7FD];
	_ =	sdelay $0x1  }
0x3d: {  	[smem:$0x7F8] =	sst s11  }
0x3e: {  	s11 =	sshrl.u32 @p0 s0, $0x3;
	s0 =	sld [smem:$0x7F9];
	_ =	sdelay $0x1  }
0x3f: {  	s12 =	simm.s32 @p0 $0x1FCA  }
0x40: {  	[spmem:s11], [sflag:s12] =	dma.local @p0 [hbm:s0], $0x2080  }
0x41: {  	s12 =	sld [smem:$0x7FA]  }
0x42: {  	s11 =	stileid.u32  }
0x43: {  	s11 =	sshll.u32 @!p0 s11, $0x6  }
0x44: {  	s11 =	sor.u32 @!p0 $0x1C0A, s11;
	s12 =	sshrl.u32 @!p0 s12, $0x3  }
0x45: {  	[spmem:s12], [sflag:s11] =	dma.local @!p0 [hbm:s0], $0x2780  }
0x46: {  	s11 =	rddreg [dreg:$0x11]  }
0x47: {  	[tilespmem:s4], [sflag:$0x4] =	stream.linear.gather [hbm4b:s11+s4], $0x80, $0x38;
	[tilespmem:$0x1FE80] =	vst v63  }
0x48: {  	s12 =	rddreg [dreg:$0x12]  }
0x49: {  	[tilespmem:s16], [sflag:$0x4] =	stream.linear.gather [hbm4b:s12+s4], $0x80, $0x38;
	[tilespmem:$0x1FE80] =	vst v63  }
0x4a: {  	s0 =	rddreg [dreg:$0x13]  }
0x4b: {  	[tilespmem:s31], [sflag:$0x5] =	stream.linear.gather [hbm4b:s0+s4], $0x80, $0x38;
	[tilespmem:$0x1FE80] =	vst v63  }
0x4c: {  	s5 =	rddreg [dreg:$0x14]  }
0x4d: {  	[tilespmem:s2], [sflag:$0x5] =	stream.linear.gather [hbm4b:s5+s4], $0x80, $0x38;
	[tilespmem:$0x1FE80] =	vst v63  }
0x4e: {  	s12 =	rddreg [dreg:$0x15]  }
0x4f: {  	[tilespmem:s6], [sflag:$0x6] =	stream.linear.gather [hbm4b:s12+s4], $0x80, $0x38;
	[tilespmem:$0x1FE80] =	vst v63  }
0x50: {  	s0 =	rddreg [dreg:$0x16]  }
0x51: {  	[tilespmem:s7], [sflag:$0x6] =	stream.linear.gather [hbm4b:s0+s4], $0x80, $0x38;
	[tilespmem:$0x1FE80] =	vst v63  }
0x52: {  	s0 =	rddreg [dreg:$0x18]  }
0x53: {  	[tilespmem:s15], [sflag:$0x7] =	stream.linear.gather [hbm4b:s0+s4], $0x80, $0x38;
	[tilespmem:$0x1FE80] =	vst v63  }
0x54: {  	s5 =	rddreg [dreg:$0x19]  }
0x55: {  	[tilespmem:s21], [sflag:$0x7] =	stream.linear.gather [hbm4b:s5+s4], $0x80, $0x38;
	[tilespmem:$0x1FE80] =	vst v63  }
0x56: {  	s11 =	rddreg [dreg:$0x1a]  }
0x57: {  	[tilespmem:s22], [sflag:$0x8] =	stream.linear.gather [hbm4b:s11+s4], $0x80, $0x38;
	[tilespmem:$0x1FE80] =	vst v63  }
0x58: {  	s12 =	rddreg [dreg:$0x1b];
	s5 =	simm.s32 $0x500  }
0x59: {  	[tilespmem:s5], [sflag:$0x8] =	stream.linear.gather [hbm4b:s12+s4], $0x80, $0x38;
	[tilespmem:$0x1FE80] =	vst v63  }
0x5a: {  	_ =	swait.ge [sflag:s8], $0x80  }
0x5b: {  	[sflag:s8] =	ssyncset.done $0x0  }
0x5c: {  	[sflag:s8] =	ssyncadd.s32 $0xFFFFFF80  }
0x5d: {  	_ =	swait.ge [sflag:s8], $0x80  }
0x5e: {  	[sflag:s8] =	ssyncset.done $0x0  }
0x5f: {  	[sflag:s8] =	ssyncadd.s32 $0xFFFFFF80  }
0x60: {  	s5 =	rddreg [dreg:$0x0]  }
0x61: {  	[tilespmem:s9], [sflag:$0x1] =	stream.indirect.gather [hbm4b:s5+s31], $0x80, s4, s31, $0xb8;
	[tilespmem:$0x1FE80] =	vst v63  }
0x62: {  	_ =	swait.ge [sflag:s10], $0x80  }
0x63: {  	[sflag:s10] =	ssyncset.done $0x0  }
0x64: {  	[sflag:s10] =	ssyncadd.s32 $0xFFFFFF80  }
0x65: {  	_ =	swait.ge [sflag:s10], $0x80  }
0x66: {  	[sflag:s10] =	ssyncset.done $0x0  }
0x67: {  	s11 =	simm.s32 @p0 $0xA;
	[sflag:s10] =	ssyncadd.s32 $0xFFFFFF80  }
0x68: {  	[tilespmem:s13], [sflag:$0x2] =	stream.indirect.gather [hbm4b:s5+s31], $0x80, s31, s31, $0xb8;
	[tilespmem:$0x1FE80] =	vst v63  }
0x69: {  	_ =	swait.ge @p0 [sflag:s11], $0x2080  }
0x6a: {  	[sflag:s11] =	ssyncset.done @p0 $0x0  }
0x6b: {  	[sflag:s11] =	ssyncadd.s32 @p0 $0xFFFFDF80;
	s11 =	simm.s32 @!p0 $0xA  }
0x6c: {  	_ =	swait.ge @!p0 [sflag:s11], $0x2780  }
0x6d: {  	[sflag:s11] =	ssyncset.done @!p0 $0x0  }
0x6e: {  	[sflag:s11] =	ssyncadd.s32 @!p0 $0xFFFFD880  }
0x6f: {  	[bflag:$0x0] =	sbarrier.arrive $0xFFFF  }
0x70: {  	_ =	swait.ge [sflag:s17], $0x80  }
0x71: {  	[sflag:s17] =	ssyncset.done $0x0  }
0x72: {  	[sflag:s17] =	ssyncadd.s32 $0xFFFFFF80  }
0x73: {  	_ =	swait.ge [sflag:s17], $0x80  }
0x74: {  	[sflag:s17] =	ssyncset.done $0x0  }
0x75: {  	[sflag:s17] =	ssyncadd.s32 $0xFFFFFF80  }
0x76: {  	[tilespmem:s1], [sflag:$0x3] =	stream.indirect.gather [hbm4b:s5+s31], $0x80, s6, s31, $0xb8;
	[tilespmem:$0x1FE80] =	vst v63  }
0x77: {  	_ =	swait.ge [sflag:s19], $0x4000  }
0x78: {  	[sflag:s19] =	ssyncset.done $0x0  }
0x79: {  	[sflag:s19] =	ssyncadd.s32 $0xFFFFC000  }
0x7a: {  	[spmem:s3] =	stream.indirect.scatter.add.f32 [tilespmem:s9], [sflag:$0xB], $0x80, s16, s31, $0xb8;
	[tilespmem:$0x1FE80] =	vst v63  }
0x7b: {  	_ =	swait.ge [sflag:s20], $0x4000  }
0x7c: {  	s13 =	rddreg [dreg:$0xb]  }
0x7d: {  	[sflag:s20] =	ssyncset.done $0x0;
	s12 =	rddreg [dreg:$0xc]  }
0x7e: {  	[sflag:s20] =	ssyncadd.s32 $0xFFFFC000;
	s11 =	sadd.s32 $0x0, s13;
	s13 =	simm.s32 $0x280  }
0x7f: {  	[tilespmem:s13], [sflag:$0x9] =	stream.linear.gather [hbm4b:s11+s4], $0x80, $0x38;
	[tilespmem:$0x1FE80] =	vst v63  }
0x80: {  	s11 =	sadd.s32 $0x0, s12;
	s12 =	simm.s32 $0x580  }
0x81: {  	[tilespmem:s12], [sflag:$0x9] =	stream.linear.gather [hbm4b:s11+s4], $0x80, $0x38;
	[tilespmem:$0x1FE80] =	vst v63  }
0x82: {  	_ =	swait.ge [sflag:s23], $0x80  }
0x83: {  	[sflag:s23] =	ssyncset.done $0x0  }
0x84: {  	[sflag:s23] =	ssyncadd.s32 $0xFFFFFF80  }
0x85: {  	_ =	swait.ge [sflag:s23], $0x80  }
0x86: {  	[sflag:s23] =	ssyncset.done $0x0  }
0x87: {  	[sflag:s23] =	ssyncadd.s32 $0xFFFFFF80  }
0x88: {  	[tilespmem:s9], [sflag:$0x1] =	stream.indirect.gather [hbm4b:s5+s31], $0x80, s15, s31, $0xb8;
	[tilespmem:$0x1FE80] =	vst v63  }
0x89: {  	_ =	swait.ge [sflag:s28], $0x4000  }
0x8a: {  	s0 =	smov.u32 s30;
	[sflag:s28] =	ssyncset.done $0x0  }
0x8b: {  	s30 =	smov.u32 s18;
	s18 =	simm.s32 $0x4600;
	[sflag:s28] =	ssyncadd.s32 $0xFFFFC000  }
0x8c: {  	[spmem:s3] =	stream.indirect.scatter.add.f32 [tilespmem:s18], [sflag:$0xB], $0x80, s2, s31, $0xb8;
	[tilespmem:$0x1FE80] =	vst v63  }
0x8d: {  	_ =	swait.ge [sflag:s20], $0x4000  }
0x8e: {  	[sflag:s20] =	ssyncset.done $0x0  }
0x8f: {  	s26 =	sadd.s32 $0x0, s26;
	[sflag:s20] =	ssyncadd.s32 $0xFFFFC000  }
0x90: {  	[tilespmem:s4], [sflag:$0x4] =	stream.linear.gather [hbm4b:s26+s4], $0x80, $0x38;
	[tilespmem:$0x1FE80] =	vst v63  }
0x91: {  	s12 =	sadd.s32 $0x0, s0  }
0x92: {  	[tilespmem:s16], [sflag:$0x4] =	stream.linear.gather [hbm4b:s12+s4], $0x80, $0x38;
	[tilespmem:$0x1FE80] =	vst v63  }
0x93: {  	_ =	swait.ge [sflag:s29], $0x80  }
0x94: {  	[sflag:s29] =	ssyncset.done $0x0  }
0x95: {  	[sflag:s29] =	ssyncadd.s32 $0xFFFFFF80  }
0x96: {  	_ =	swait.ge [sflag:s29], $0x80  }
0x97: {  	[sflag:s29] =	ssyncset.done $0x0  }
0x98: {  	[sflag:s29] =	ssyncadd.s32 $0xFFFFFF80  }
0x99: {  	[tilespmem:s18], [sflag:$0x2] =	stream.indirect.gather [hbm4b:s5+s31], $0x80, s22, s31, $0xb8;
	[tilespmem:$0x1FE80] =	vst v63  }
0x9a: {  	_ =	swait.ge [sflag:s25], $0x4000  }
0x9b: {  	[sflag:s25] =	ssyncset.done $0x0  }
0x9c: {  	s1 =	simm.s32 $0x8600;
	[sflag:s25] =	ssyncadd.s32 $0xFFFFC000  }
0x9d: {  	[spmem:s3] =	stream.indirect.scatter.add.f32 [tilespmem:s1], [sflag:$0xB], $0x80, s7, s31, $0xb8;
	[tilespmem:$0x1FE80] =	vst v63  }
0x9e: {  	_ =	swait.ge [sflag:s20], $0x4000  }
0x9f: {  	s16 =	rddreg [dreg:$0x9];
	[sflag:s20] =	ssyncset.done $0x0  }
0xa0: {  	s26 =	rddreg [dreg:$0xa];
	[sflag:s20] =	ssyncadd.s32 $0xFFFFC000;
	s11 =	sadd.s32 $0x0, s16  }
0xa1: {  	[tilespmem:s31], [sflag:$0x5] =	stream.linear.gather [hbm4b:s11+s4], $0x80, $0x38;
	[tilespmem:$0x1FE80] =	vst v63  }
0xa2: {  	s0 =	sadd.s32 $0x0, s26  }
0xa3: {  	[tilespmem:s2], [sflag:$0x5] =	stream.linear.gather [hbm4b:s0+s4], $0x80, $0x38;
	[tilespmem:$0x1FE80] =	vst v63  }
0xa4: {  	_ =	swait.ge [sflag:s24], $0x80  }
0xa5: {  	[sflag:s24] =	ssyncset.done $0x0  }
0xa6: {  	[sflag:s24] =	ssyncadd.s32 $0xFFFFFF80  }
0xa7: {  	_ =	swait.ge [sflag:s24], $0x80  }
0xa8: {  	[sflag:s24] =	ssyncset.done $0x0  }
0xa9: {  	[sflag:s24] =	ssyncadd.s32 $0xFFFFFF80  }
0xaa: {  	[tilespmem:s1], [sflag:$0x3] =	stream.indirect.gather [hbm4b:s5+s31], $0x80, s13, s31, $0xb8;
	[tilespmem:$0x1FE80] =	vst v63  }
0xab: {  	_ =	swait.ge [sflag:s19], $0x4000  }
0xac: {  	[sflag:s19] =	ssyncset.done $0x0  }
0xad: {  	[sflag:s19] =	ssyncadd.s32 $0xFFFFC000  }
0xae: {  	[spmem:s3] =	stream.indirect.scatter.add.f32 [tilespmem:s9], [sflag:$0xB], $0x80, s21, s31, $0xb8;
	[tilespmem:$0x1FE80] =	vst v63  }
0xaf: {  	_ =	swait.ge [sflag:s20], $0x4000  }
0xb0: {  	[sflag:s20] =	ssyncset.done $0x0  }
0xb1: {  	s2 =	sadd.s32 $0x0, s30;
	[sflag:s20] =	ssyncadd.s32 $0xFFFFC000  }
0xb2: {  	[tilespmem:s6], [sflag:$0x6] =	stream.linear.gather [hbm4b:s2+s4], $0x80, $0x38;
	[tilespmem:$0x1FE80] =	vst v63  }
0xb3: {  	s6 =	sadd.s32 $0x0, s14  }
0xb4: {  	[tilespmem:s7], [sflag:$0x6] =	stream.linear.gather [hbm4b:s6+s4], $0x80, $0x38;
	[tilespmem:$0x1FE80] =	vst v63  }
0xb5: {  	_ =	swait.ge [sflag:s8], $0x80  }
0xb6: {  	[sflag:s8] =	ssyncset.done $0x0  }
0xb7: {  	[sflag:s8] =	ssyncadd.s32 $0xFFFFFF80  }
0xb8: {  	_ =	swait.ge [sflag:s8], $0x80  }
0xb9: {  	[sflag:s8] =	ssyncset.done $0x0  }
0xba: {  	[sflag:s8] =	ssyncadd.s32 $0xFFFFFF80  }
0xbb: {  	[tilespmem:s9], [sflag:$0x1] =	stream.indirect.gather [hbm4b:s5+s31], $0x80, s4, s31, $0xb8;
	[tilespmem:$0x1FE80] =	vst v63  }
0xbc: {  	_ =	swait.ge [sflag:s28], $0x4000  }
0xbd: {  	[sflag:s28] =	ssyncset.done $0x0  }
0xbe: {  	s12 =	simm.s32 $0x500;
	[sflag:s28] =	ssyncadd.s32 $0xFFFFC000  }
0xbf: {  	[spmem:s3] =	stream.indirect.scatter.add.f32 [tilespmem:s18], [sflag:$0xB], $0x80, s12, s31, $0xb8;
	[tilespmem:$0x1FE80] =	vst v63  }
0xc0: {  	_ =	swait.ge [sflag:s20], $0x4000  }
0xc1: {  	s13 =	rddreg [dreg:$0x7];
	[sflag:s20] =	ssyncset.done $0x0  }
0xc2: {  	s14 =	rddreg [dreg:$0x8];
	[sflag:s20] =	ssyncadd.s32 $0xFFFFC000;
	s11 =	sadd.s32 $0x0, s13  }
0xc3: {  	[tilespmem:s15], [sflag:$0x7] =	stream.linear.gather [hbm4b:s11+s4], $0x80, $0x38;
	[tilespmem:$0x1FE80] =	vst v63  }
0xc4: {  	s16 =	sadd.s32 $0x0, s14  }
0xc5: {  	[tilespmem:s21], [sflag:$0x7] =	stream.linear.gather [hbm4b:s16+s4], $0x80, $0x38;
	[tilespmem:$0x1FE80] =	vst v63  }
0xc6: {  	_ =	swait.ge [sflag:s10], $0x80  }
0xc7: {  	[sflag:s10] =	ssyncset.done $0x0  }
0xc8: {  	[sflag:s10] =	ssyncadd.s32 $0xFFFFFF80  }
0xc9: {  	_ =	swait.ge [sflag:s10], $0x80  }
0xca: {  	[sflag:s10] =	ssyncset.done $0x0  }
0xcb: {  	[sflag:s10] =	ssyncadd.s32 $0xFFFFFF80  }
0xcc: {  	[tilespmem:s18], [sflag:$0x2] =	stream.indirect.gather [hbm4b:s5+s31], $0x80, s31, s31, $0xb8;
	[tilespmem:$0x1FE80] =	vst v63  }
0xcd: {  	_ =	swait.ge [sflag:s25], $0x4000  }
0xce: {  	[sflag:s25] =	ssyncset.done $0x0  }
0xcf: {  	s21 =	simm.s32 $0x580;
	[sflag:s25] =	ssyncadd.s32 $0xFFFFC000  }
0xd0: {  	[spmem:s3] =	stream.indirect.scatter.add.f32 [tilespmem:s1], [sflag:$0xB], $0x80, s21, s31, $0xb8;
	[tilespmem:$0x1FE80] =	vst v63  }
0xd1: {  	_ =	swait.ge [sflag:s20], $0x4000  }
0xd2: {  	s26 =	rddreg [dreg:$0x5];
	[sflag:s20] =	ssyncset.done $0x0  }
0xd3: {  	s30 =	rddreg [dreg:$0x6];
	[sflag:s20] =	ssyncadd.s32 $0xFFFFC000;
	s11 =	sadd.s32 $0x0, s26  }
0xd4: {  	[tilespmem:s22], [sflag:$0x8] =	stream.linear.gather [hbm4b:s11+s4], $0x80, $0x38;
	[tilespmem:$0x1FE80] =	vst v63  }
0xd5: {  	s12 =	sadd.s32 $0x0, s30;
	s11 =	simm.s32 $0x60  }
.LBB2_2:
0xd6: {  	s7 =	simm.s32 $0x500  }
0xd7: {  	[tilespmem:s7], [sflag:$0x8] =	stream.linear.gather [hbm4b:s12+s4], $0x80, $0x38;
	[tilespmem:$0x1FE80] =	vst v63  }
0xd8: {  	_ =	swait.ge [sflag:s17], $0x80  }
0xd9: {  	[sflag:s17] =	ssyncset.done $0x0  }
0xda: {  	[sflag:s17] =	ssyncadd.s32 $0xFFFFFF80  }
0xdb: {  	_ =	swait.ge [sflag:s17], $0x80  }
0xdc: {  	[sflag:s17] =	ssyncset.done $0x0  }
0xdd: {  	s30 =	simm.s32 $0x100;
	s1 =	simm.s32 $0x8600;
	[sflag:s17] =	ssyncadd.s32 $0xFFFFFF80  }
0xde: {  	[tilespmem:s1], [sflag:$0x3] =	stream.indirect.gather [hbm4b:s5+s31], $0x80, s30, s31, $0xb8;
	[tilespmem:$0x1FE80] =	vst v63  }
0xdf: {  	_ =	swait.ge [sflag:s19], $0x4000  }
0xe0: {  	[sflag:s19] =	ssyncset.done $0x0  }
0xe1: {  	s6 =	simm.s32 $0x300;
	[sflag:s19] =	ssyncadd.s32 $0xFFFFC000  }
0xe2: {  	[spmem:s3] =	stream.indirect.scatter.add.f32 [tilespmem:s9], [sflag:$0xB], $0x80, s6, s31, $0xb8;
	[tilespmem:$0x1FE80] =	vst v63  }
0xe3: {  	s12 =	smov.u32 s11;
	_ =	swait.ge [sflag:s20], $0x4000  }
0xe4: {  	s5 =	simm.s32 $0x280;
	s13 =	rddreg [dreg:$0xb];
	[sflag:s20] =	ssyncset.done $0x0  }
0xe5: {  	s14 =	rddreg [dreg:$0xc];
	[sflag:s20] =	ssyncadd.s32 $0xFFFFC000;
	s13 =	sadd.s32 s12, s13  }
0xe6: {  	[tilespmem:s5], [sflag:$0x9] =	stream.linear.gather [hbm4b:s13+s4], $0x80, $0x38;
	[tilespmem:$0x1FE80] =	vst v63  }
0xe7: {  	s22 =	simm.s32 $0x580;
	s21 =	sadd.s32 s12, s14  }
0xe8: {  	[tilespmem:s22], [sflag:$0x9] =	stream.linear.gather [hbm4b:s21+s4], $0x80, $0x38;
	[tilespmem:$0x1FE80] =	vst v63  }
0xe9: {  	_ =	swait.ge [sflag:s23], $0x80  }
0xea: {  	[sflag:s23] =	ssyncset.done $0x0  }
0xeb: {  	[sflag:s23] =	ssyncadd.s32 $0xFFFFFF80  }
0xec: {  	_ =	swait.ge [sflag:s23], $0x80  }
0xed: {  	[sflag:s23] =	ssyncset.done $0x0  }
0xee: {  	[sflag:s23] =	ssyncadd.s32 $0xFFFFFF80  }
0xef: {  	s0 =	simm.s32 $0x180;
	s2 =	rddreg [dreg:$0x0]  }
0xf0: {  	[tilespmem:s9], [sflag:$0x1] =	stream.indirect.gather [hbm4b:s2+s31], $0x80, s0, s31, $0xb8;
	[tilespmem:$0x1FE80] =	vst v63  }
0xf1: {  	_ =	swait.ge [sflag:s28], $0x4000  }
0xf2: {  	[sflag:s28] =	ssyncset.done $0x0  }
0xf3: {  	s15 =	simm.s32 $0x380;
	[sflag:s28] =	ssyncadd.s32 $0xFFFFC000  }
0xf4: {  	[spmem:s3] =	stream.indirect.scatter.add.f32 [tilespmem:s18], [sflag:$0xB], $0x80, s15, s31, $0xb8;
	[tilespmem:$0x1FE80] =	vst v63  }
0xf5: {  	_ =	swait.ge [sflag:s20], $0x4000  }
0xf6: {  	[sflag:s20] =	ssyncset.done $0x0;
	s26 =	rddreg [dreg:$0xd]  }
0xf7: {  	s14 =	rddreg [dreg:$0x10];
	[sflag:s20] =	ssyncadd.s32 $0xFFFFC000;
	s9 =	sadd.s32 s12, s26  }
0xf8: {  	[tilespmem:s4], [sflag:$0x4] =	stream.linear.gather [hbm4b:s9+s4], $0x80, $0x38;
	[tilespmem:$0x1FE80] =	vst v63  }
0xf9: {  	s16 =	sadd.s32 s12, s14  }
0xfa: {  	[tilespmem:s6], [sflag:$0x4] =	stream.linear.gather [hbm4b:s16+s4], $0x80, $0x38;
	[tilespmem:$0x1FE80] =	vst v63  }
0xfb: {  	_ =	swait.ge [sflag:s29], $0x80  }
0xfc: {  	[sflag:s29] =	ssyncset.done $0x0  }
0xfd: {  	[sflag:s29] =	ssyncadd.s32 $0xFFFFFF80  }
0xfe: {  	_ =	swait.ge [sflag:s29], $0x80  }
0xff: {  	[sflag:s29] =	ssyncset.done $0x0  }
0x100: {  	[sflag:s29] =	ssyncadd.s32 $0xFFFFFF80  }
0x101: {  	s16 =	simm.s32 $0x200;
	s21 =	rddreg [dreg:$0x0]  }
0x102: {  	[tilespmem:s18], [sflag:$0x2] =	stream.indirect.gather [hbm4b:s21+s31], $0x80, s16, s31, $0xb8;
	[tilespmem:$0x1FE80] =	vst v63  }
0x103: {  	_ =	swait.ge [sflag:s25], $0x4000  }
0x104: {  	[sflag:s25] =	ssyncset.done $0x0  }
0x105: {  	s9 =	simm.s32 $0x400;
	[sflag:s25] =	ssyncadd.s32 $0xFFFFC000  }
0x106: {  	[spmem:s3] =	stream.indirect.scatter.add.f32 [tilespmem:s1], [sflag:$0xB], $0x80, s9, s31, $0xb8;
	[tilespmem:$0x1FE80] =	vst v63  }
0x107: {  	_ =	swait.ge [sflag:s20], $0x4000  }
0x108: {  	s2 =	rddreg [dreg:$0x9];
	[sflag:s20] =	ssyncset.done $0x0  }
0x109: {  	s6 =	rddreg [dreg:$0xa];
	[sflag:s20] =	ssyncadd.s32 $0xFFFFC000;
	s13 =	sadd.s32 s12, s2  }
0x10a: {  	[tilespmem:s31], [sflag:$0x5] =	stream.linear.gather [hbm4b:s13+s4], $0x80, $0x38;
	[tilespmem:$0x1FE80] =	vst v63  }
0x10b: {  	s2 =	sadd.s32 s12, s6  }
0x10c: {  	[tilespmem:s15], [sflag:$0x5] =	stream.linear.gather [hbm4b:s2+s4], $0x80, $0x38;
	[tilespmem:$0x1FE80] =	vst v63  }
0x10d: {  	_ =	swait.ge [sflag:s24], $0x80  }
0x10e: {  	[sflag:s24] =	ssyncset.done $0x0  }
0x10f: {  	[sflag:s24] =	ssyncadd.s32 $0xFFFFFF80  }
0x110: {  	_ =	swait.ge [sflag:s24], $0x80  }
0x111: {  	[sflag:s24] =	ssyncset.done $0x0  }
0x112: {  	[sflag:s24] =	ssyncadd.s32 $0xFFFFFF80  }
0x113: {  	s14 =	rddreg [dreg:$0x0]  }
0x114: {  	[tilespmem:s1], [sflag:$0x3] =	stream.indirect.gather [hbm4b:s14+s31], $0x80, s5, s31, $0xb8;
	[tilespmem:$0x1FE80] =	vst v63  }
0x115: {  	_ =	swait.ge [sflag:s19], $0x4000  }
0x116: {  	[sflag:s19] =	ssyncset.done $0x0  }
0x117: {  	s21 =	simm.s32 $0x600;
	s5 =	simm.s32 $0x480;
	[sflag:s19] =	ssyncadd.s32 $0xFFFFC000  }
0x118: {  	[spmem:s3] =	stream.indirect.scatter.add.f32 [tilespmem:s21], [sflag:$0xB], $0x80, s5, s31, $0xb8;
	[tilespmem:$0x1FE80] =	vst v63  }
0x119: {  	_ =	swait.ge [sflag:s20], $0x4000  }
0x11a: {  	[sflag:s20] =	ssyncset.done $0x0;
	s15 =	rddreg [dreg:$0xf]  }
0x11b: {  	s14 =	rddreg [dreg:$0xe];
	[sflag:s20] =	ssyncadd.s32 $0xFFFFC000;
	s21 =	sadd.s32 s12, s15  }
0x11c: {  	[tilespmem:s30], [sflag:$0x6] =	stream.linear.gather [hbm4b:s21+s4], $0x80, $0x38;
	[tilespmem:$0x1FE80] =	vst v63  }
0x11d: {  	s13 =	sadd.s32 s12, s14  }
0x11e: {  	[tilespmem:s9], [sflag:$0x6] =	stream.linear.gather [hbm4b:s13+s4], $0x80, $0x38;
	[tilespmem:$0x1FE80] =	vst v63  }
0x11f: {  	_ =	swait.ge [sflag:s8], $0x80  }
0x120: {  	[sflag:s8] =	ssyncset.done $0x0  }
0x121: {  	[sflag:s8] =	ssyncadd.s32 $0xFFFFFF80  }
0x122: {  	_ =	swait.ge [sflag:s8], $0x80  }
0x123: {  	[sflag:s8] =	ssyncset.done $0x0  }
0x124: {  	[sflag:s8] =	ssyncadd.s32 $0xFFFFFF80  }
0x125: {  	s9 =	simm.s32 $0x600;
	s15 =	rddreg [dreg:$0x0]  }
0x126: {  	[tilespmem:s9], [sflag:$0x1] =	stream.indirect.gather [hbm4b:s15+s31], $0x80, s4, s31, $0xb8;
	[tilespmem:$0x1FE80] =	vst v63  }
0x127: {  	_ =	swait.ge [sflag:s28], $0x4000  }
0x128: {  	[sflag:s28] =	ssyncset.done $0x0  }
0x129: {  	[sflag:s28] =	ssyncadd.s32 $0xFFFFC000  }
0x12a: {  	[spmem:s3] =	stream.indirect.scatter.add.f32 [tilespmem:s18], [sflag:$0xB], $0x80, s7, s31, $0xb8;
	[tilespmem:$0x1FE80] =	vst v63  }
0x12b: {  	_ =	swait.ge [sflag:s20], $0x4000  }
0x12c: {  	s30 =	rddreg [dreg:$0x7];
	[sflag:s20] =	ssyncset.done $0x0  }
0x12d: {  	s7 =	rddreg [dreg:$0x8];
	[sflag:s20] =	ssyncadd.s32 $0xFFFFC000;
	s13 =	sadd.s32 s12, s30  }
0x12e: {  	[tilespmem:s0], [sflag:$0x7] =	stream.linear.gather [hbm4b:s13+s4], $0x80, $0x38;
	[tilespmem:$0x1FE80] =	vst v63  }
0x12f: {  	s14 =	sadd.s32 s12, s7  }
0x130: {  	[tilespmem:s5], [sflag:$0x7] =	stream.linear.gather [hbm4b:s14+s4], $0x80, $0x38;
	[tilespmem:$0x1FE80] =	vst v63  }
0x131: {  	s5 =	rddreg [dreg:$0x0];
	_ =	swait.ge [sflag:s10], $0x80  }
0x132: {  	[sflag:s10] =	ssyncset.done $0x0  }
0x133: {  	[sflag:s10] =	ssyncadd.s32 $0xFFFFFF80  }
0x134: {  	_ =	swait.ge [sflag:s10], $0x80  }
0x135: {  	[sflag:s10] =	ssyncset.done $0x0  }
0x136: {  	[sflag:s10] =	ssyncadd.s32 $0xFFFFFF80  }
0x137: {  	[tilespmem:s18], [sflag:$0x2] =	stream.indirect.gather [hbm4b:s5+s31], $0x80, s31, s31, $0xb8;
	[tilespmem:$0x1FE80] =	vst v63  }
0x138: {  	p2 =	sne.s32 s11, $0x420;
	_ =	swait.ge [sflag:s25], $0x4000  }
0x139: {  	s11 =	sadd.s32 $0x60, s11;
	s26 =	simm.s32 $0x300;
	[sflag:s25] =	ssyncset.done $0x0  }
0x13a: {  	s6 =	simm.s32 $0x380;
	s2 =	simm.s32 $0x100;
	[sflag:s25] =	ssyncadd.s32 $0xFFFFC000  }
0x13b: {  	[spmem:s3] =	stream.indirect.scatter.add.f32 [tilespmem:s1], [sflag:$0xB], $0x80, s22, s31, $0xb8;
	[tilespmem:$0x1FE80] =	vst v63  }
.Ltmp2:
0x13c: {  	s21 =	simm.s32 $0x400;
	_ =	swait.ge [sflag:s20], $0x4000;
	(pc) =	sbr.rel @p2 .LBB2_2-.Ltmp2, $4  }
0x13d: {  	s15 =	simm.s32 $0x180;
	s22 =	rddreg [dreg:$0x5];
	[sflag:s20] =	ssyncset.done $0x0  }
0x13e: {  	s7 =	simm.s32 $0x480;
	s30 =	rddreg [dreg:$0x6];
	[sflag:s20] =	ssyncadd.s32 $0xFFFFC000  }
0x13f: {  	s13 =	sadd.s32 s12, s22;
	s22 =	simm.s32 $0x200;
	s12 =	sadd.s32 s12, s30  }
0x140: {  	[tilespmem:s16], [sflag:$0x8] =	stream.linear.gather [hbm4b:s13+s4], $0x80, $0x38;
	[tilespmem:$0x1FE80] =	vst v63  }
0x141: {  	s14 =	rddreg [dreg:$0x10];
	s0 =	simm.s32 $0x500  }
0x142: {  	[tilespmem:s0], [sflag:$0x8] =	stream.linear.gather [hbm4b:s12+s4], $0x80, $0x38;
	[tilespmem:$0x1FE80] =	vst v63  }
0x143: {  	s30 =	rddreg [dreg:$0xf];
	_ =	swait.ge [sflag:s17], $0x80  }
0x144: {  	[sflag:s17] =	ssyncset.done $0x0  }
0x145: {  	[sflag:s17] =	ssyncadd.s32 $0xFFFFFF80  }
0x146: {  	_ =	swait.ge [sflag:s17], $0x80  }
0x147: {  	[sflag:s17] =	ssyncset.done $0x0  }
0x148: {  	s1 =	simm.s32 $0x8600;
	[sflag:s17] =	ssyncadd.s32 $0xFFFFFF80  }
0x149: {  	[tilespmem:s1], [sflag:$0x3] =	stream.indirect.gather [hbm4b:s5+s31], $0x80, s2, s31, $0xb8;
	[tilespmem:$0x1FE80] =	vst v63  }
0x14a: {  	_ =	swait.ge [sflag:s19], $0x4000  }
0x14b: {  	[sflag:s19] =	ssyncset.done $0x0  }
0x14c: {  	[sflag:s19] =	ssyncadd.s32 $0xFFFFC000  }
0x14d: {  	[spmem:s3] =	stream.indirect.scatter.add.f32 [tilespmem:s9], [sflag:$0xB], $0x80, s26, s31, $0xb8;
	[tilespmem:$0x1FE80] =	vst v63  }
0x14e: {  	_ =	swait.ge [sflag:s20], $0x4000  }
0x14f: {  	s2 =	smov.u32 s5;
	[sflag:s20] =	ssyncset.done $0x0  }
0x150: {  	s5 =	simm.s32 $0x280;
	s11 =	rddreg [dreg:$0x1c];
	[sflag:s20] =	ssyncadd.s32 $0xFFFFC000  }
0x151: {  	[tilespmem:s5], [sflag:$0x9] =	stream.linear.gather [hbm4b:s11+s4], $0x80, $0x38;
	[tilespmem:$0x1FE80] =	vst v63  }
0x152: {  	s16 =	simm.s32 $0x580;
	s26 =	rddreg [dreg:$0x1d]  }
0x153: {  	[tilespmem:s16], [sflag:$0x9] =	stream.linear.gather [hbm4b:s26+s4], $0x80, $0x38;
	[tilespmem:$0x1FE80] =	vst v63  }
0x154: {  	s12 =	rddreg [dreg:$0x1f];
	s11 =	simm.s32 @!p1 $0x0  }
0x155: {  	[tilespmem:s11], [sflag:$0x4] =	stream.linear.gather @!p1 [hbm4b:s12+s11], $0x80, $0x38;
	[tilespmem:$0x1FE80] =	vst v63  }
0x156: {  	s13 =	rddreg [dreg:$0x1e];
	s12 =	simm.s32 @!p1 $0x300  }
0x157: {  	[tilespmem:s12], [sflag:$0x4] =	stream.linear.gather @!p1 [hbm4b:s13+s11], $0x80, $0x38;
	[tilespmem:$0x1FE80] =	vst v63  }
0x158: {  	_ =	swait.ge [sflag:s23], $0x80  }
0x159: {  	[sflag:s23] =	ssyncset.done $0x0  }
0x15a: {  	[sflag:s23] =	ssyncadd.s32 $0xFFFFFF80  }
0x15b: {  	_ =	swait.ge [sflag:s23], $0x80  }
0x15c: {  	[sflag:s23] =	ssyncset.done $0x0  }
0x15d: {  	[sflag:s23] =	ssyncadd.s32 $0xFFFFFF80  }
0x15e: {  	[tilespmem:s9], [sflag:$0x1] =	stream.indirect.gather [hbm4b:s2+s31], $0x80, s15, s31, $0xb8;
	[tilespmem:$0x1FE80] =	vst v63  }
0x15f: {  	_ =	swait.ge [sflag:s28], $0x4000  }
0x160: {  	[sflag:s28] =	ssyncset.done $0x0  }
0x161: {  	[sflag:s28] =	ssyncadd.s32 $0xFFFFC000  }
0x162: {  	[spmem:s3] =	stream.indirect.scatter.add.f32 [tilespmem:s18], [sflag:$0xB], $0x80, s6, s31, $0xb8;
	[tilespmem:$0x1FE80] =	vst v63  }
0x163: {  	_ =	swait.ge [sflag:s20], $0x4000  }
0x164: {  	[sflag:s20] =	ssyncset.done $0x0  }
0x165: {  	[sflag:s20] =	ssyncadd.s32 $0xFFFFC000  }
0x166: {  	_ =	swait.ge [sflag:s29], $0x80  }
0x167: {  	[sflag:s29] =	ssyncset.done $0x0  }
0x168: {  	[sflag:s29] =	ssyncadd.s32 $0xFFFFFF80  }
0x169: {  	_ =	swait.ge [sflag:s29], $0x80  }
0x16a: {  	[sflag:s29] =	ssyncset.done $0x0  }
0x16b: {  	[sflag:s29] =	ssyncadd.s32 $0xFFFFFF80  }
0x16c: {  	[tilespmem:s18], [sflag:$0x2] =	stream.indirect.gather [hbm4b:s2+s31], $0x80, s22, s31, $0xb8;
	[tilespmem:$0x1FE80] =	vst v63  }
0x16d: {  	_ =	swait.ge [sflag:s25], $0x4000  }
0x16e: {  	[sflag:s25] =	ssyncset.done $0x0  }
0x16f: {  	[sflag:s25] =	ssyncadd.s32 $0xFFFFC000  }
0x170: {  	[spmem:s3] =	stream.indirect.scatter.add.f32 [tilespmem:s1], [sflag:$0xB], $0x80, s21, s31, $0xb8;
	[tilespmem:$0x1FE80] =	vst v63  }
0x171: {  	_ =	swait.ge [sflag:s20], $0x4000  }
0x172: {  	[sflag:s20] =	ssyncset.done $0x0  }
0x173: {  	[sflag:s20] =	ssyncadd.s32 $0xFFFFC000  }
0x174: {  	_ =	swait.ge [sflag:s24], $0x80  }
0x175: {  	[sflag:s24] =	ssyncset.done $0x0  }
0x176: {  	[sflag:s24] =	ssyncadd.s32 $0xFFFFFF80  }
0x177: {  	_ =	swait.ge [sflag:s24], $0x80  }
0x178: {  	[sflag:s24] =	ssyncset.done $0x0  }
0x179: {  	[sflag:s24] =	ssyncadd.s32 $0xFFFFFF80  }
0x17a: {  	[tilespmem:s1], [sflag:$0x3] =	stream.indirect.gather [hbm4b:s2+s31], $0x80, s5, s31, $0xb8;
	[tilespmem:$0x1FE80] =	vst v63  }
0x17b: {  	_ =	swait.ge [sflag:s19], $0x4000  }
0x17c: {  	[sflag:s19] =	ssyncset.done $0x0  }
0x17d: {  	[sflag:s19] =	ssyncadd.s32 $0xFFFFC000  }
0x17e: {  	[spmem:s3] =	stream.indirect.scatter.add.f32 [tilespmem:s9], [sflag:$0xB], $0x80, s7, s31, $0xb8;
	[tilespmem:$0x1FE80] =	vst v63  }
0x17f: {  	_ =	swait.ge [sflag:s20], $0x4000  }
0x180: {  	[sflag:s20] =	ssyncset.done $0x0  }
0x181: {  	s12 =	simm.s32 @!p1 $0x4;
	[sflag:s20] =	ssyncadd.s32 $0xFFFFC000  }
0x182: {  	_ =	swait.ge @!p1 [sflag:s12], $0x80  }
0x183: {  	[sflag:s12] =	ssyncset.done @!p1 $0x0  }
0x184: {  	[sflag:s12] =	ssyncadd.s32 @!p1 $0xFFFFFF80  }
0x185: {  	_ =	swait.ge @!p1 [sflag:s12], $0x80  }
0x186: {  	[sflag:s12] =	ssyncset.done @!p1 $0x0  }
0x187: {  	s13 =	simm.s32 @!p1 $0x600;
	[sflag:s12] =	ssyncadd.s32 @!p1 $0xFFFFFF80;
	s12 =	simm.s32 @!p1 $0x80  }
0x188: {  	[tilespmem:s13], [sflag:$0x1] =	stream.indirect.gather @!p1 [hbm4b:s2+s12], $0x80, s11, s12, $0xb8;
	[tilespmem:$0x1FE80] =	vst v63  }
0x189: {  	_ =	swait.ge [sflag:s28], $0x4000  }
0x18a: {  	[sflag:s28] =	ssyncset.done $0x0  }
0x18b: {  	[sflag:s28] =	ssyncadd.s32 $0xFFFFC000  }
0x18c: {  	[spmem:s3] =	stream.indirect.scatter.add.f32 [tilespmem:s18], [sflag:$0xB], $0x80, s0, s31, $0xb8;
	[tilespmem:$0x1FE80] =	vst v63  }
0x18d: {  	_ =	swait.ge [sflag:s20], $0x4000  }
0x18e: {  	[sflag:s20] =	ssyncset.done $0x0  }
0x18f: {  	[sflag:s20] =	ssyncadd.s32 $0xFFFFC000  }
0x190: {  	_ =	swait.ge [sflag:s25], $0x4000  }
0x191: {  	s15 =	simm.s32 $0x180;
	[sflag:s25] =	ssyncset.done $0x0  }
.Ltmp3:
0x192: {  	s6 =	simm.s32 $0x100;
	[sflag:s25] =	ssyncadd.s32 $0xFFFFC000;
	(pc) =	sbr.rel @p1 .LBB2_5-.Ltmp3, $4  }
0x193: {  	[spmem:s3] =	stream.indirect.scatter.add.f32 [tilespmem:s1], [sflag:$0xB], $0x80, s16, s31, $0xb8;
	[tilespmem:$0x1FE80] =	vst v63  }
0x194: {  	s21 =	simm.s32 $0x480;
	s7 =	simm.s32 $0x400;
	_ =	swait.ge [sflag:s20], $0x4000  }
0x195: {  	s2 =	simm.s32 $0x380;
	s13 =	simm.s32 $0x4600;
	[sflag:s20] =	ssyncset.done $0x0  }
0x196: {  	s16 =	simm.s32 $0x300;
	s1 =	simm.s32 $0x8600;
	[sflag:s20] =	ssyncadd.s32 $0xFFFFC000  }
0x197: {  	_ =	swait.ge [sflag:s19], $0x4000  }
0x198: {  	[sflag:s19] =	ssyncset.done $0x0  }
0x199: {  	[sflag:s19] =	ssyncadd.s32 $0xFFFFC000  }
0x19a: {  	[spmem:s3] =	stream.indirect.scatter.add.f32 [tilespmem:s9], [sflag:$0xB], $0x80, s16, s31, $0xb8;
	[tilespmem:$0x1FE80] =	vst v63  }
.Ltmp4:
0x19b: {  	_ =	swait.ge [sflag:s20], $0x4000;
	(pc) =	sbr.rel .LBB2_6-.Ltmp4, $4  }
0x19c: {  	[sflag:s20] =	ssyncset.done $0x0  }
0x19d: {  	[sflag:s20] =	ssyncadd.s32 $0xFFFFC000  }
0x19e: {  	[bflag:$0x0] =	sbarrier.arrive $0xFFFF  }
0x19f: {  	s18 =	smov.u32 s30;
	s30 =	smov.u32 s14  }
.LBB2_5:
.Ltmp5:
0x1a0: {  	(pc) =	sbr.rel @p0 .LBB2_7-.Ltmp5, $3  }
0x1a1: {  	_ =	sdelay $0x1  }
0x1a2: {  	[bflag:$0x0] =	sbarrier.arrive $0xFFFF  }
0x1a3: {  	s18 =	smov.u32 s30;
	s30 =	smov.u32 s14  }
.LBB2_6:
0x1a4: {  	s12 =	sld [smem:$0x7FA]  }
0x1a5: {  	s11 =	stileid.u32;
	s15 =	rddreg [dreg:$0x17]  }
0x1a6: {  	s7 =	simm.s32 $0x400;
	s6 =	simm.s32 $0x100;
	s11 =	sshll.u32 s11, $0x6  }
.Ltmp6:
0x1a7: {  	s11 =	sor.u32 $0x1C0B, s11;
	s12 =	sshrl.u32 s12, $0x3;
	(pc) =	sbr.rel .LBB2_8-.Ltmp6, $4  }
0x1a8: {  	[hbm:s15], [sflag:s11] =	dma.local [spmem:s12], $0x2780  }
0x1a9: {  	s2 =	simm.s32 $0x380;
	s16 =	simm.s32 $0x300;
	_ =	swait.ge [sflag:s20], $0x2780  }
0x1aa: {  	s22 =	simm.s32 $0x200;
	[sflag:s20] =	ssyncset.done $0x0;
	s14 =	rddreg [dreg:$0xe]  }
0x1ab: {  	s15 =	simm.s32 $0x180;
	s11 =	sld [smem:$0x7F8];
	[sflag:s20] =	ssyncadd.s32 $0xFFFFD880  }
.LBB2_9:
0x1ac: {  	_ =	sfence.sel $0x180000  }
0x1ad: {  	[bflag:$0x0] =	sbarrier.arrive $0xFFFF  }
0x1ae: {  	_ =	strace $0x90000047  }
0x1af: {  	s0 =	stileid.u32;
	[bflag:$0x2] =	sbarrier.arrive $0xFFFF  }
0x1b0: {  	p0 =	sne.s32 s0, $0x0;
	s0 =	rddreg [dreg:$0x4]  }
0x1b1: {  	s0 =	sadd.s32 @!p0 $0x100000, s0  }
0x1b2: {  	[sflag:s0] =	ssyncadd.tile.s32 @!p0 $0x1;
	_ =	shalt  }
.Lfunc_end2:
_tile_overlayer_lowered:
.L_overlay_start_2:
0x1b3: {  	(tag) =	ssettag $0x2  }
0x1b4: {  	s0 =	rddreg [dreg:$0x0];
	s2 =	stileid.u32  }
0x1b5: {  	s1 =	rddreg [dreg:$0x1];
	p0 =	sne.s32 s2, $0x0  }
0x1b6: {  	s3 =	rddreg [dreg:$0x2];
	[bflag:$0x3] =	sbarrier.arrive $0xFFFF;
	s2 =	simm.s32 @!p0 $0x1C0B  }
0x1b7: {  	[timem:s3], [sflag:s2] =	dma.local @!p0 [hbm:s0], s1  }
0x1b8: {  	s0 =	simm.s32 @!p0 $0xB  }
0x1b9: {  	_ =	swait.ge @!p0 [sflag:s0], s1  }
0x1ba: {  	s1 =	ssub.s32 @!p0 $0x0, s1;
	[sflag:s0] =	ssyncset.done @!p0 $0x0  }
0x1bb: {  	[sflag:s0] =	ssyncadd.s32 @!p0 s1  }
0x1bc: {  	[bflag:$0x3] =	sbarrier.arrive $0xFFFF  }
0x1bd: {  	_ =	shalt  }

</sc_bundles>
